<compile_context>
chip_gen: v7x
topology: tpu7x:2x2x1
jax: 0.10.2.dev20260603
libtpu: 0.0.44.dev20260713+nightly
codegen_flags: <defaults>
</compile_context>

<pallas_src>
import jax
import jax.numpy as jnp
from jax import lax
from jax.experimental import pallas as pl
from jax.experimental.pallas import tpu as pltpu
from jax.experimental.pallas import tpu_sc as plsc

END_TOKEN = 2
FULL_WORD_REWARD = 2.0

V = 1_000_000
B, L = 16384, 200
N = B * L
NC, NS = 2, 16
NW = NC * NS
PER_W = N // NW
CHUNK = 10_240
NCHUNKS = PER_W // CHUNK

VP = 1_007_616
TBLK = VP // 8
TAIL = V - 7 * TBLK
SEG = VP // 16


def _fuse_body(rm_ref, t_in, t_out):
    s = t_in[...]
    m = jnp.minimum(jnp.maximum(s + 1, 0), 4)
    r = jnp.full((TBLK,), rm_ref[0], jnp.float32)
    for k in range(1, 5):
        r = jnp.where(m == k, rm_ref[k], r)
    t_out[...] = r

    @pl.when(pl.program_id(0) == 0)
    def _():
        v = t_out[pl.ds(0, 1024)].reshape(8, 128)
        gi = (lax.broadcasted_iota(jnp.int32, (8, 128), 0) * 128
              + lax.broadcasted_iota(jnp.int32, (8, 128), 1))
        v = v + jnp.where(gi == END_TOKEN, FULL_WORD_REWARD, 0.0)
        t_out[pl.ds(0, 1024)] = v.reshape(1024)


_fuse = pl.pallas_call(
    _fuse_body,
    grid=(VP // TBLK,),
    in_specs=[
        pl.BlockSpec(memory_space=pltpu.SMEM),
        pl.BlockSpec((TBLK,), lambda i: (i,)),
    ],
    out_specs=pl.BlockSpec((TBLK,), lambda i: (i,)),
    out_shape=jax.ShapeDtypeStruct((VP,), jnp.float32),
)


def _gather_body(tw_hbm, fused_hbm, out_hbm,
                 i0, i1, i2, v0, v1, fsh,
                 si0, si1, si2, sv0, sv1, so0, so1):
    cid = lax.axis_index("c")
    sid = lax.axis_index("s")
    wid = sid * NC + cid
    base = wid * PER_W
    idx = (i0, i1, i2)
    val = (v0, v1)
    isem = (si0, si1, si2)
    gsem = (sv0, sv1)
    osem = (so0, so1)

    ld = {}
    g = {}
    st = {}

    def start_ld(i):
        ld[i] = pltpu.async_copy(
            tw_hbm.at[pl.ds(base + i * CHUNK, CHUNK)], idx[i % 3], isem[i % 3])

    def start_st(i):
        st[i] = pltpu.async_copy(
            val[i % 2], out_hbm.at[pl.ds(base + i * CHUNK, CHUNK)], osem[i % 2])

    start_ld(0)
    start_ld(1)

    pltpu.sync_copy(fused_hbm.at[pl.ds(sid * SEG, SEG)],
                    fsh.at[pl.ds(sid * SEG, SEG)])

    plsc.subcore_barrier()

    for i in range(NCHUNKS):
        if i >= 2:
            st[i - 2].wait()
        ld[i].wait()
        g[i] = pltpu.async_copy(fsh.at[idx[i % 3]], val[i % 2], gsem[i % 2])
        if i >= 1:
            g[i - 1].wait()
            start_st(i - 1)
        if i + 2 < NCHUNKS:
            start_ld(i + 2)
    g[NCHUNKS - 1].wait()
    start_st(NCHUNKS - 1)
    st[NCHUNKS - 2].wait()
    st[NCHUNKS - 1].wait()


_gather_call = pl.kernel(
    _gather_body,
    mesh=plsc.VectorSubcoreMesh(core_axis_name="c", subcore_axis_name="s"),
    out_type=jax.ShapeDtypeStruct((N,), jnp.float32),
    scratch_types=[
        pltpu.VMEM((CHUNK,), jnp.int32),
        pltpu.VMEM((CHUNK,), jnp.int32),
        pltpu.VMEM((CHUNK,), jnp.int32),
        pltpu.VMEM((CHUNK,), jnp.float32),
        pltpu.VMEM((CHUNK,), jnp.float32),
        pltpu.VMEM_SHARED((VP,), jnp.float32),
        pltpu.SemaphoreType.DMA,
        pltpu.SemaphoreType.DMA,
        pltpu.SemaphoreType.DMA,
        pltpu.SemaphoreType.DMA,
        pltpu.SemaphoreType.DMA,
        pltpu.SemaphoreType.DMA,
        pltpu.SemaphoreType.DMA,
    ],
)


@jax.jit
def kernel(token_words, trie_status, reward_mapping_values):
    fused = _fuse(reward_mapping_values, trie_status)
    out = _gather_call(token_words.reshape(N), fused)
    return out.reshape(B, L)

# --- scband reference (transcript-rebuilt; emitter-appended) ---
"""Pipeline reference for scband-word-reward-47871705481673 (READ-ONLY COPY).

The authoritative reference and input builder live on the scoring server;
editing this copy changes nothing except your own understanding.
"""

import jax, jax.numpy as jnp
import numpy as np

FULL_WORD_REWARD = 2.0
END_TOKEN = 2


def setup_inputs(seed: int = 0) -> dict:
    key = jax.random.key(seed)
    k1, k2 = jax.random.split(key)
    B, L, V = 16384, 200, 1000000
    token_words = jax.random.randint(k1, (B, L), 0, V, dtype=jnp.int32)
    # TokenTrie replacement: per-token status in {-1: padding-adjacent, 0: nonword_char,
    # 1: word_char, 2: test_word_char, 3: train_word_char}; acts as the trie's
    # word_values() lookup table (status per vocab entry).
    trie_status = jax.random.randint(k2, (V,), -1, 4, dtype=jnp.int32)
    # _reward_mapping_values = [padding=0.0, nonword_char, word_char, test_word_char, train_word_char]
    reward_mapping_values = jnp.array([0.0, -1.0, 0.1, 0.5, 1.0], dtype=jnp.float32)
    return {
        "token_words": token_words,
        "trie_status": trie_status,
        "reward_mapping_values": reward_mapping_values,
    }


def reference(token_words, trie_status, reward_mapping_values):
    # token_trie.word_values(token_words) -> (values, is_full_word)
    values_raw = jnp.take(trie_status, token_words, axis=0)          # gather [B, L]
    is_full_word = jnp.any(token_words == END_TOKEN, axis=1).astype(jnp.float32)  # [B]
    # values = self._reward_mapping_values[values + 1]
    values = jnp.take(reward_mapping_values, values_raw + 1, axis=0)  # gather [B, L]
    # if abs(full_word_reward) > 0.001: add reward at end-token positions
    full_word_reward = is_full_word * FULL_WORD_REWARD                # [B]
    end_mask = (token_words == END_TOKEN).astype(jnp.float32)         # [B, L]
    values = values + end_mask * full_word_reward[:, None]
    return values

if __name__ == "__main__":
    import jax
    _d = setup_inputs()
    print(jax.jit(kernel)(*tuple(_d.values())))

</pallas_src>

<mosaic_0001>
#map = affine_map<(d0, d1) -> (0)>
module attributes {stable_mosaic.version = 14 : i64} {
  func.func @_gather_body(%arg0: i32, %arg1: i32, %arg2: memref<3276800xi32, #tpu.memory_space<hbm>>, %arg3: memref<1007616xf32, #tpu.memory_space<hbm>>, %arg4: memref<3276800xf32, #tpu.memory_space<hbm>>, %arg5: memref<10240xi32, #tpu.memory_space<vmem>>, %arg6: memref<10240xi32, #tpu.memory_space<vmem>>, %arg7: memref<10240xi32, #tpu.memory_space<vmem>>, %arg8: memref<10240xf32, #tpu.memory_space<vmem>>, %arg9: memref<10240xf32, #tpu.memory_space<vmem>>, %arg10: memref<1007616xf32, #tpu.memory_space<vmem_shared>>, %arg11: memref<!tpu.dma_semaphore, #tpu.memory_space<semaphore_mem>>, %arg12: memref<!tpu.dma_semaphore, #tpu.memory_space<semaphore_mem>>, %arg13: memref<!tpu.dma_semaphore, #tpu.memory_space<semaphore_mem>>, %arg14: memref<!tpu.dma_semaphore, #tpu.memory_space<semaphore_mem>>, %arg15: memref<!tpu.dma_semaphore, #tpu.memory_space<semaphore_mem>>, %arg16: memref<!tpu.dma_semaphore, #tpu.memory_space<semaphore_mem>>, %arg17: memref<!tpu.dma_semaphore, #tpu.memory_space<semaphore_mem>>) attributes {dimension_semantics = [#tpu.dimension_semantics<core_parallel>, #tpu.dimension_semantics<subcore_parallel>], iteration_bounds = array<i64: 2, 16>, scalar_prefetch = 0 : i64, scratch_operands = 13 : i64, tpu.core_type = #tpu.core_type<sc_vector_subcore>, window_params = [{transform_indices = #map}, {transform_indices = #map}, {transform_indices = #map}]} {
    %mul3A = arith.constant 2 : i32
    %mul3A_0 = arith.muli %arg1, %mul3A : i32
    %add3A = arith.addi %mul3A_0, %arg0 : i32
    %mul3A_1 = arith.constant 102400 : i32
    %mul3A_2 = arith.muli %add3A, %mul3A_1 : i32
    %add3A_3 = arith.constant 0 : i32
    %add3A_4 = arith.addi %mul3A_2, %add3A_3 : i32
    %dma_start3A = tpu.memref_slice %arg2[%add3A_4] : memref<3276800xi32, #tpu.memory_space<hbm>> -> memref<10240xi32, #tpu.memory_space<hbm>>
    %dma_start3A_5 = tpu.memref_slice %arg2[%add3A_4] : memref<3276800xi32, #tpu.memory_space<hbm>> -> memref<10240xi32, #tpu.memory_space<hbm>>
    tpu.enqueue_dma source(%dma_start3A_5 : memref<10240xi32, #tpu.memory_space<hbm>>) target(%arg5 : memref<10240xi32, #tpu.memory_space<vmem>>) target_semaphore(%arg11 : memref<!tpu.dma_semaphore, #tpu.memory_space<semaphore_mem>>)
    %add3A_6 = arith.constant 10240 : i32
    %add3A_7 = arith.addi %mul3A_2, %add3A_6 : i32
    %dma_start3A_8 = tpu.memref_slice %arg2[%add3A_7] : memref<3276800xi32, #tpu.memory_space<hbm>> -> memref<10240xi32, #tpu.memory_space<hbm>>
    %dma_start3A_9 = tpu.memref_slice %arg2[%add3A_7] : memref<3276800xi32, #tpu.memory_space<hbm>> -> memref<10240xi32, #tpu.memory_space<hbm>>
    tpu.enqueue_dma source(%dma_start3A_9 : memref<10240xi32, #tpu.memory_space<hbm>>) target(%arg6 : memref<10240xi32, #tpu.memory_space<vmem>>) target_semaphore(%arg12 : memref<!tpu.dma_semaphore, #tpu.memory_space<semaphore_mem>>)
    %mul3A_10 = arith.constant 62976 : i32
    %mul3A_11 = arith.muli %arg1, %mul3A_10 : i32
    %mul3A_12 = arith.constant 62976 : i32
    %mul3A_13 = arith.muli %arg1, %mul3A_12 : i32
    "tpu.region"() ({
      %run_scoped3A = tpu.sem_alloc : memref<!tpu.dma_semaphore, #tpu.memory_space<semaphore_mem>>
      %dma_start3A_165 = tpu.memref_slice %arg10[%mul3A_13] : memref<1007616xf32, #tpu.memory_space<vmem_shared>> -> memref<62976xf32, #tpu.memory_space<vmem_shared>>
      %dma_start3A_166 = tpu.memref_slice %arg3[%mul3A_11] : memref<1007616xf32, #tpu.memory_space<hbm>> -> memref<62976xf32, #tpu.memory_space<hbm>>
      tpu.enqueue_dma source(%dma_start3A_166 : memref<62976xf32, #tpu.memory_space<hbm>>) target(%dma_start3A_165 : memref<62976xf32, #tpu.memory_space<vmem_shared>>) target_semaphore(%run_scoped3A : memref<!tpu.dma_semaphore, #tpu.memory_space<semaphore_mem>>)
      %dma_wait3A_167 = tpu.memref_slice %arg10[%mul3A_13] : memref<1007616xf32, #tpu.memory_space<vmem_shared>> -> memref<62976xf32, #tpu.memory_space<vmem_shared>>
      %dma_wait3A_168 = tpu.memref_slice %arg3[%mul3A_11] : memref<1007616xf32, #tpu.memory_space<hbm>> -> memref<62976xf32, #tpu.memory_space<hbm>>
      tpu.wait_dma2 semaphore(%run_scoped3A : memref<!tpu.dma_semaphore, #tpu.memory_space<semaphore_mem>>) src(%dma_wait3A_168 : memref<62976xf32, #tpu.memory_space<hbm>>) dst(%dma_wait3A_167 : memref<62976xf32, #tpu.memory_space<vmem_shared>>)
      tpu.yield
    }) : () -> ()
    %barrier3A = arith.constant 0 : index
    tpu.barrier barrier_id(%barrier3A)
    %dma_wait3A = tpu.memref_slice %arg2[%add3A_4] : memref<3276800xi32, #tpu.memory_space<hbm>> -> memref<10240xi32, #tpu.memory_space<hbm>>
    %dma_wait3A_14 = tpu.memref_slice %arg2[%add3A_4] : memref<3276800xi32, #tpu.memory_space<hbm>> -> memref<10240xi32, #tpu.memory_space<hbm>>
    tpu.wait_dma2 semaphore(%arg11 : memref<!tpu.dma_semaphore, #tpu.memory_space<semaphore_mem>>) src(%dma_wait3A_14 : memref<10240xi32, #tpu.memory_space<hbm>>) dst(%arg5 : memref<10240xi32, #tpu.memory_space<vmem>>)
    %dma_start3A_15 = arith.constant 0 : i32
    %dma_start3A_16 = tpu.memref_slice %arg10[%dma_start3A_15] : memref<1007616xf32, #tpu.memory_space<vmem_shared>> -> memref<1007616xf32, #tpu.memory_space<vmem_shared>>
    tpu.enqueue_indirect_dma source(%dma_start3A_16 : memref<1007616xf32, #tpu.memory_space<vmem_shared>>) target(%arg8 : memref<10240xf32, #tpu.memory_space<vmem>>) offsets(%arg5 : memref<10240xi32, #tpu.memory_space<vmem>>) semaphore(%arg14 : memref<!tpu.dma_semaphore, #tpu.memory_space<semaphore_mem>>)
    %add3A_17 = arith.constant 20480 : i32
    %add3A_18 = arith.addi %mul3A_2, %add3A_17 : i32
    %dma_start3A_19 = tpu.memref_slice %arg2[%add3A_18] : memref<3276800xi32, #tpu.memory_space<hbm>> -> memref<10240xi32, #tpu.memory_space<hbm>>
    %dma_start3A_20 = tpu.memref_slice %arg2[%add3A_18] : memref<3276800xi32, #tpu.memory_space<hbm>> -> memref<10240xi32, #tpu.memory_space<hbm>>
    tpu.enqueue_dma source(%dma_start3A_20 : memref<10240xi32, #tpu.memory_space<hbm>>) target(%arg7 : memref<10240xi32, #tpu.memory_space<vmem>>) target_semaphore(%arg13 : memref<!tpu.dma_semaphore, #tpu.memory_space<semaphore_mem>>)
    %dma_wait3A_21 = tpu.memref_slice %arg2[%add3A_7] : memref<3276800xi32, #tpu.memory_space<hbm>> -> memref<10240xi32, #tpu.memory_space<hbm>>
    %dma_wait3A_22 = tpu.memref_slice %arg2[%add3A_7] : memref<3276800xi32, #tpu.memory_space<hbm>> -> memref<10240xi32, #tpu.memory_space<hbm>>
    tpu.wait_dma2 semaphore(%arg12 : memref<!tpu.dma_semaphore, #tpu.memory_space<semaphore_mem>>) src(%dma_wait3A_22 : memref<10240xi32, #tpu.memory_space<hbm>>) dst(%arg6 : memref<10240xi32, #tpu.memory_space<vmem>>)
    %dma_start3A_23 = arith.constant 0 : i32
    %dma_start3A_24 = tpu.memref_slice %arg10[%dma_start3A_23] : memref<1007616xf32, #tpu.memory_space<vmem_shared>> -> memref<1007616xf32, #tpu.memory_space<vmem_shared>>
    tpu.enqueue_indirect_dma source(%dma_start3A_24 : memref<1007616xf32, #tpu.memory_space<vmem_shared>>) target(%arg9 : memref<10240xf32, #tpu.memory_space<vmem>>) offsets(%arg6 : memref<10240xi32, #tpu.memory_space<vmem>>) semaphore(%arg15 : memref<!tpu.dma_semaphore, #tpu.memory_space<semaphore_mem>>)
    %dma_wait3A_25 = arith.constant 0 : i32
    %dma_wait3A_26 = tpu.memref_slice %arg10[%dma_wait3A_25] : memref<1007616xf32, #tpu.memory_space<vmem_shared>> -> memref<1007616xf32, #tpu.memory_space<vmem_shared>>
    tpu.wait_indirect_dma semaphore(%arg14 : memref<!tpu.dma_semaphore, #tpu.memory_space<semaphore_mem>>) src(%dma_wait3A_26 : memref<1007616xf32, #tpu.memory_space<vmem_shared>>) dst(%arg8 : memref<10240xf32, #tpu.memory_space<vmem>>)
    %add3A_27 = arith.constant 0 : i32
    %add3A_28 = arith.addi %mul3A_2, %add3A_27 : i32
    %dma_start3A_29 = tpu.memref_slice %arg4[%add3A_28] : memref<3276800xf32, #tpu.memory_space<hbm>> -> memref<10240xf32, #tpu.memory_space<hbm>>
    %dma_start3A_30 = tpu.memref_slice %arg4[%add3A_28] : memref<3276800xf32, #tpu.memory_space<hbm>> -> memref<10240xf32, #tpu.memory_space<hbm>>
    tpu.enqueue_dma source(%arg8 : memref<10240xf32, #tpu.memory_space<vmem>>) target(%dma_start3A_30 : memref<10240xf32, #tpu.memory_space<hbm>>) target_semaphore(%arg16 : memref<!tpu.dma_semaphore, #tpu.memory_space<semaphore_mem>>)
    %add3A_31 = arith.constant 30720 : i32
    %add3A_32 = arith.addi %mul3A_2, %add3A_31 : i32
    %dma_start3A_33 = tpu.memref_slice %arg2[%add3A_32] : memref<3276800xi32, #tpu.memory_space<hbm>> -> memref<10240xi32, #tpu.memory_space<hbm>>
    %dma_start3A_34 = tpu.memref_slice %arg2[%add3A_32] : memref<3276800xi32, #tpu.memory_space<hbm>> -> memref<10240xi32, #tpu.memory_space<hbm>>
    tpu.enqueue_dma source(%dma_start3A_34 : memref<10240xi32, #tpu.memory_space<hbm>>) target(%arg5 : memref<10240xi32, #tpu.memory_space<vmem>>) target_semaphore(%arg11 : memref<!tpu.dma_semaphore, #tpu.memory_space<semaphore_mem>>)
    %dma_wait3A_35 = tpu.memref_slice %arg4[%add3A_28] : memref<3276800xf32, #tpu.memory_space<hbm>> -> memref<10240xf32, #tpu.memory_space<hbm>>
    %dma_wait3A_36 = tpu.memref_slice %arg4[%add3A_28] : memref<3276800xf32, #tpu.memory_space<hbm>> -> memref<10240xf32, #tpu.memory_space<hbm>>
    tpu.wait_dma2 semaphore(%arg16 : memref<!tpu.dma_semaphore, #tpu.memory_space<semaphore_mem>>) src(%arg8 : memref<10240xf32, #tpu.memory_space<vmem>>) dst(%dma_wait3A_36 : memref<10240xf32, #tpu.memory_space<hbm>>)
    %dma_wait3A_37 = tpu.memref_slice %arg2[%add3A_18] : memref<3276800xi32, #tpu.memory_space<hbm>> -> memref<10240xi32, #tpu.memory_space<hbm>>
    %dma_wait3A_38 = tpu.memref_slice %arg2[%add3A_18] : memref<3276800xi32, #tpu.memory_space<hbm>> -> memref<10240xi32, #tpu.memory_space<hbm>>
    tpu.wait_dma2 semaphore(%arg13 : memref<!tpu.dma_semaphore, #tpu.memory_space<semaphore_mem>>) src(%dma_wait3A_38 : memref<10240xi32, #tpu.memory_space<hbm>>) dst(%arg7 : memref<10240xi32, #tpu.memory_space<vmem>>)
    %dma_start3A_39 = arith.constant 0 : i32
    %dma_start3A_40 = tpu.memref_slice %arg10[%dma_start3A_39] : memref<1007616xf32, #tpu.memory_space<vmem_shared>> -> memref<1007616xf32, #tpu.memory_space<vmem_shared>>
    tpu.enqueue_indirect_dma source(%dma_start3A_40 : memref<1007616xf32, #tpu.memory_space<vmem_shared>>) target(%arg8 : memref<10240xf32, #tpu.memory_space<vmem>>) offsets(%arg7 : memref<10240xi32, #tpu.memory_space<vmem>>) semaphore(%arg14 : memref<!tpu.dma_semaphore, #tpu.memory_space<semaphore_mem>>)
    %dma_wait3A_41 = arith.constant 0 : i32
    %dma_wait3A_42 = tpu.memref_slice %arg10[%dma_wait3A_41] : memref<1007616xf32, #tpu.memory_space<vmem_shared>> -> memref<1007616xf32, #tpu.memory_space<vmem_shared>>
    tpu.wait_indirect_dma semaphore(%arg15 : memref<!tpu.dma_semaphore, #tpu.memory_space<semaphore_mem>>) src(%dma_wait3A_42 : memref<1007616xf32, #tpu.memory_space<vmem_shared>>) dst(%arg9 : memref<10240xf32, #tpu.memory_space<vmem>>)
    %add3A_43 = arith.constant 10240 : i32
    %add3A_44 = arith.addi %mul3A_2, %add3A_43 : i32
    %dma_start3A_45 = tpu.memref_slice %arg4[%add3A_44] : memref<3276800xf32, #tpu.memory_space<hbm>> -> memref<10240xf32, #tpu.memory_space<hbm>>
    %dma_start3A_46 = tpu.memref_slice %arg4[%add3A_44] : memref<3276800xf32, #tpu.memory_space<hbm>> -> memref<10240xf32, #tpu.memory_space<hbm>>
    tpu.enqueue_dma source(%arg9 : memref<10240xf32, #tpu.memory_space<vmem>>) target(%dma_start3A_46 : memref<10240xf32, #tpu.memory_space<hbm>>) target_semaphore(%arg17 : memref<!tpu.dma_semaphore, #tpu.memory_space<semaphore_mem>>)
    %add3A_47 = arith.constant 40960 : i32
    %add3A_48 = arith.addi %mul3A_2, %add3A_47 : i32
    %dma_start3A_49 = tpu.memref_slice %arg2[%add3A_48] : memref<3276800xi32, #tpu.memory_space<hbm>> -> memref<10240xi32, #tpu.memory_space<hbm>>
    %dma_start3A_50 = tpu.memref_slice %arg2[%add3A_48] : memref<3276800xi32, #tpu.memory_space<hbm>> -> memref<10240xi32, #tpu.memory_space<hbm>>
    tpu.enqueue_dma source(%dma_start3A_50 : memref<10240xi32, #tpu.memory_space<hbm>>) target(%arg6 : memref<10240xi32, #tpu.memory_space<vmem>>) target_semaphore(%arg12 : memref<!tpu.dma_semaphore, #tpu.memory_space<semaphore_mem>>)
    %dma_wait3A_51 = tpu.memref_slice %arg4[%add3A_44] : memref<3276800xf32, #tpu.memory_space<hbm>> -> memref<10240xf32, #tpu.memory_space<hbm>>
    %dma_wait3A_52 = tpu.memref_slice %arg4[%add3A_44] : memref<3276800xf32, #tpu.memory_space<hbm>> -> memref<10240xf32, #tpu.memory_space<hbm>>
    tpu.wait_dma2 semaphore(%arg17 : memref<!tpu.dma_semaphore, #tpu.memory_space<semaphore_mem>>) src(%arg9 : memref<10240xf32, #tpu.memory_space<vmem>>) dst(%dma_wait3A_52 : memref<10240xf32, #tpu.memory_space<hbm>>)
    %dma_wait3A_53 = tpu.memref_slice %arg2[%add3A_32] : memref<3276800xi32, #tpu.memory_space<hbm>> -> memref<10240xi32, #tpu.memory_space<hbm>>
    %dma_wait3A_54 = tpu.memref_slice %arg2[%add3A_32] : memref<3276800xi32, #tpu.memory_space<hbm>> -> memref<10240xi32, #tpu.memory_space<hbm>>
    tpu.wait_dma2 semaphore(%arg11 : memref<!tpu.dma_semaphore, #tpu.memory_space<semaphore_mem>>) src(%dma_wait3A_54 : memref<10240xi32, #tpu.memory_space<hbm>>) dst(%arg5 : memref<10240xi32, #tpu.memory_space<vmem>>)
    %dma_start3A_55 = arith.constant 0 : i32
    %dma_start3A_56 = tpu.memref_slice %arg10[%dma_start3A_55] : memref<1007616xf32, #tpu.memory_space<vmem_shared>> -> memref<1007616xf32, #tpu.memory_space<vmem_shared>>
    tpu.enqueue_indirect_dma source(%dma_start3A_56 : memref<1007616xf32, #tpu.memory_space<vmem_shared>>) target(%arg9 : memref<10240xf32, #tpu.memory_space<vmem>>) offsets(%arg5 : memref<10240xi32, #tpu.memory_space<vmem>>) semaphore(%arg15 : memref<!tpu.dma_semaphore, #tpu.memory_space<semaphore_mem>>)
    %dma_wait3A_57 = arith.constant 0 : i32
    %dma_wait3A_58 = tpu.memref_slice %arg10[%dma_wait3A_57] : memref<1007616xf32, #tpu.memory_space<vmem_shared>> -> memref<1007616xf32, #tpu.memory_space<vmem_shared>>
    tpu.wait_indirect_dma semaphore(%arg14 : memref<!tpu.dma_semaphore, #tpu.memory_space<semaphore_mem>>) src(%dma_wait3A_58 : memref<1007616xf32, #tpu.memory_space<vmem_shared>>) dst(%arg8 : memref<10240xf32, #tpu.memory_space<vmem>>)
    %add3A_59 = arith.constant 20480 : i32
    %add3A_60 = arith.addi %mul3A_2, %add3A_59 : i32
    %dma_start3A_61 = tpu.memref_slice %arg4[%add3A_60] : memref<3276800xf32, #tpu.memory_space<hbm>> -> memref<10240xf32, #tpu.memory_space<hbm>>
    %dma_start3A_62 = tpu.memref_slice %arg4[%add3A_60] : memref<3276800xf32, #tpu.memory_space<hbm>> -> memref<10240xf32, #tpu.memory_space<hbm>>
    tpu.enqueue_dma source(%arg8 : memref<10240xf32, #tpu.memory_space<vmem>>) target(%dma_start3A_62 : memref<10240xf32, #tpu.memory_space<hbm>>) target_semaphore(%arg16 : memref<!tpu.dma_semaphore, #tpu.memory_space<semaphore_mem>>)
    %add3A_63 = arith.constant 51200 : i32
    %add3A_64 = arith.addi %mul3A_2, %add3A_63 : i32
    %dma_start3A_65 = tpu.memref_slice %arg2[%add3A_64] : memref<3276800xi32, #tpu.memory_space<hbm>> -> memref<10240xi32, #tpu.memory_space<hbm>>
    %dma_start3A_66 = tpu.memref_slice %arg2[%add3A_64] : memref<3276800xi32, #tpu.memory_space<hbm>> -> memref<10240xi32, #tpu.memory_space<hbm>>
    tpu.enqueue_dma source(%dma_start3A_66 : memref<10240xi32, #tpu.memory_space<hbm>>) target(%arg7 : memref<10240xi32, #tpu.memory_space<vmem>>) target_semaphore(%arg13 : memref<!tpu.dma_semaphore, #tpu.memory_space<semaphore_mem>>)
    %dma_wait3A_67 = tpu.memref_slice %arg4[%add3A_60] : memref<3276800xf32, #tpu.memory_space<hbm>> -> memref<10240xf32, #tpu.memory_space<hbm>>
    %dma_wait3A_68 = tpu.memref_slice %arg4[%add3A_60] : memref<3276800xf32, #tpu.memory_space<hbm>> -> memref<10240xf32, #tpu.memory_space<hbm>>
    tpu.wait_dma2 semaphore(%arg16 : memref<!tpu.dma_semaphore, #tpu.memory_space<semaphore_mem>>) src(%arg8 : memref<10240xf32, #tpu.memory_space<vmem>>) dst(%dma_wait3A_68 : memref<10240xf32, #tpu.memory_space<hbm>>)
    %dma_wait3A_69 = tpu.memref_slice %arg2[%add3A_48] : memref<3276800xi32, #tpu.memory_space<hbm>> -> memref<10240xi32, #tpu.memory_space<hbm>>
    %dma_wait3A_70 = tpu.memref_slice %arg2[%add3A_48] : memref<3276800xi32, #tpu.memory_space<hbm>> -> memref<10240xi32, #tpu.memory_space<hbm>>
    tpu.wait_dma2 semaphore(%arg12 : memref<!tpu.dma_semaphore, #tpu.memory_space<semaphore_mem>>) src(%dma_wait3A_70 : memref<10240xi32, #tpu.memory_space<hbm>>) dst(%arg6 : memref<10240xi32, #tpu.memory_space<vmem>>)
    %dma_start3A_71 = arith.constant 0 : i32
    %dma_start3A_72 = tpu.memref_slice %arg10[%dma_start3A_71] : memref<1007616xf32, #tpu.memory_space<vmem_shared>> -> memref<1007616xf32, #tpu.memory_space<vmem_shared>>
    tpu.enqueue_indirect_dma source(%dma_start3A_72 : memref<1007616xf32, #tpu.memory_space<vmem_shared>>) target(%arg8 : memref<10240xf32, #tpu.memory_space<vmem>>) offsets(%arg6 : memref<10240xi32, #tpu.memory_space<vmem>>) semaphore(%arg14 : memref<!tpu.dma_semaphore, #tpu.memory_space<semaphore_mem>>)
    %dma_wait3A_73 = arith.constant 0 : i32
    %dma_wait3A_74 = tpu.memref_slice %arg10[%dma_wait3A_73] : memref<1007616xf32, #tpu.memory_space<vmem_shared>> -> memref<1007616xf32, #tpu.memory_space<vmem_shared>>
    tpu.wait_indirect_dma semaphore(%arg15 : memref<!tpu.dma_semaphore, #tpu.memory_space<semaphore_mem>>) src(%dma_wait3A_74 : memref<1007616xf32, #tpu.memory_space<vmem_shared>>) dst(%arg9 : memref<10240xf32, #tpu.memory_space<vmem>>)
    %add3A_75 = arith.constant 30720 : i32
    %add3A_76 = arith.addi %mul3A_2, %add3A_75 : i32
    %dma_start3A_77 = tpu.memref_slice %arg4[%add3A_76] : memref<3276800xf32, #tpu.memory_space<hbm>> -> memref<10240xf32, #tpu.memory_space<hbm>>
    %dma_start3A_78 = tpu.memref_slice %arg4[%add3A_76] : memref<3276800xf32, #tpu.memory_space<hbm>> -> memref<10240xf32, #tpu.memory_space<hbm>>
    tpu.enqueue_dma source(%arg9 : memref<10240xf32, #tpu.memory_space<vmem>>) target(%dma_start3A_78 : memref<10240xf32, #tpu.memory_space<hbm>>) target_semaphore(%arg17 : memref<!tpu.dma_semaphore, #tpu.memory_space<semaphore_mem>>)
    %add3A_79 = arith.constant 61440 : i32
    %add3A_80 = arith.addi %mul3A_2, %add3A_79 : i32
    %dma_start3A_81 = tpu.memref_slice %arg2[%add3A_80] : memref<3276800xi32, #tpu.memory_space<hbm>> -> memref<10240xi32, #tpu.memory_space<hbm>>
    %dma_start3A_82 = tpu.memref_slice %arg2[%add3A_80] : memref<3276800xi32, #tpu.memory_space<hbm>> -> memref<10240xi32, #tpu.memory_space<hbm>>
    tpu.enqueue_dma source(%dma_start3A_82 : memref<10240xi32, #tpu.memory_space<hbm>>) target(%arg5 : memref<10240xi32, #tpu.memory_space<vmem>>) target_semaphore(%arg11 : memref<!tpu.dma_semaphore, #tpu.memory_space<semaphore_mem>>)
    %dma_wait3A_83 = tpu.memref_slice %arg4[%add3A_76] : memref<3276800xf32, #tpu.memory_space<hbm>> -> memref<10240xf32, #tpu.memory_space<hbm>>
    %dma_wait3A_84 = tpu.memref_slice %arg4[%add3A_76] : memref<3276800xf32, #tpu.memory_space<hbm>> -> memref<10240xf32, #tpu.memory_space<hbm>>
    tpu.wait_dma2 semaphore(%arg17 : memref<!tpu.dma_semaphore, #tpu.memory_space<semaphore_mem>>) src(%arg9 : memref<10240xf32, #tpu.memory_space<vmem>>) dst(%dma_wait3A_84 : memref<10240xf32, #tpu.memory_space<hbm>>)
    %dma_wait3A_85 = tpu.memref_slice %arg2[%add3A_64] : memref<3276800xi32, #tpu.memory_space<hbm>> -> memref<10240xi32, #tpu.memory_space<hbm>>
    %dma_wait3A_86 = tpu.memref_slice %arg2[%add3A_64] : memref<3276800xi32, #tpu.memory_space<hbm>> -> memref<10240xi32, #tpu.memory_space<hbm>>
    tpu.wait_dma2 semaphore(%arg13 : memref<!tpu.dma_semaphore, #tpu.memory_space<semaphore_mem>>) src(%dma_wait3A_86 : memref<10240xi32, #tpu.memory_space<hbm>>) dst(%arg7 : memref<10240xi32, #tpu.memory_space<vmem>>)
    %dma_start3A_87 = arith.constant 0 : i32
    %dma_start3A_88 = tpu.memref_slice %arg10[%dma_start3A_87] : memref<1007616xf32, #tpu.memory_space<vmem_shared>> -> memref<1007616xf32, #tpu.memory_space<vmem_shared>>
    tpu.enqueue_indirect_dma source(%dma_start3A_88 : memref<1007616xf32, #tpu.memory_space<vmem_shared>>) target(%arg9 : memref<10240xf32, #tpu.memory_space<vmem>>) offsets(%arg7 : memref<10240xi32, #tpu.memory_space<vmem>>) semaphore(%arg15 : memref<!tpu.dma_semaphore, #tpu.memory_space<semaphore_mem>>)
    %dma_wait3A_89 = arith.constant 0 : i32
    %dma_wait3A_90 = tpu.memref_slice %arg10[%dma_wait3A_89] : memref<1007616xf32, #tpu.memory_space<vmem_shared>> -> memref<1007616xf32, #tpu.memory_space<vmem_shared>>
    tpu.wait_indirect_dma semaphore(%arg14 : memref<!tpu.dma_semaphore, #tpu.memory_space<semaphore_mem>>) src(%dma_wait3A_90 : memref<1007616xf32, #tpu.memory_space<vmem_shared>>) dst(%arg8 : memref<10240xf32, #tpu.memory_space<vmem>>)
    %add3A_91 = arith.constant 40960 : i32
    %add3A_92 = arith.addi %mul3A_2, %add3A_91 : i32
    %dma_start3A_93 = tpu.memref_slice %arg4[%add3A_92] : memref<3276800xf32, #tpu.memory_space<hbm>> -> memref<10240xf32, #tpu.memory_space<hbm>>
    %dma_start3A_94 = tpu.memref_slice %arg4[%add3A_92] : memref<3276800xf32, #tpu.memory_space<hbm>> -> memref<10240xf32, #tpu.memory_space<hbm>>
    tpu.enqueue_dma source(%arg8 : memref<10240xf32, #tpu.memory_space<vmem>>) target(%dma_start3A_94 : memref<10240xf32, #tpu.memory_space<hbm>>) target_semaphore(%arg16 : memref<!tpu.dma_semaphore, #tpu.memory_space<semaphore_mem>>)
    %add3A_95 = arith.constant 71680 : i32
    %add3A_96 = arith.addi %mul3A_2, %add3A_95 : i32
    %dma_start3A_97 = tpu.memref_slice %arg2[%add3A_96] : memref<3276800xi32, #tpu.memory_space<hbm>> -> memref<10240xi32, #tpu.memory_space<hbm>>
    %dma_start3A_98 = tpu.memref_slice %arg2[%add3A_96] : memref<3276800xi32, #tpu.memory_space<hbm>> -> memref<10240xi32, #tpu.memory_space<hbm>>
    tpu.enqueue_dma source(%dma_start3A_98 : memref<10240xi32, #tpu.memory_space<hbm>>) target(%arg6 : memref<10240xi32, #tpu.memory_space<vmem>>) target_semaphore(%arg12 : memref<!tpu.dma_semaphore, #tpu.memory_space<semaphore_mem>>)
    %dma_wait3A_99 = tpu.memref_slice %arg4[%add3A_92] : memref<3276800xf32, #tpu.memory_space<hbm>> -> memref<10240xf32, #tpu.memory_space<hbm>>
    %dma_wait3A_100 = tpu.memref_slice %arg4[%add3A_92] : memref<3276800xf32, #tpu.memory_space<hbm>> -> memref<10240xf32, #tpu.memory_space<hbm>>
    tpu.wait_dma2 semaphore(%arg16 : memref<!tpu.dma_semaphore, #tpu.memory_space<semaphore_mem>>) src(%arg8 : memref<10240xf32, #tpu.memory_space<vmem>>) dst(%dma_wait3A_100 : memref<10240xf32, #tpu.memory_space<hbm>>)
    %dma_wait3A_101 = tpu.memref_slice %arg2[%add3A_80] : memref<3276800xi32, #tpu.memory_space<hbm>> -> memref<10240xi32, #tpu.memory_space<hbm>>
    %dma_wait3A_102 = tpu.memref_slice %arg2[%add3A_80] : memref<3276800xi32, #tpu.memory_space<hbm>> -> memref<10240xi32, #tpu.memory_space<hbm>>
    tpu.wait_dma2 semaphore(%arg11 : memref<!tpu.dma_semaphore, #tpu.memory_space<semaphore_mem>>) src(%dma_wait3A_102 : memref<10240xi32, #tpu.memory_space<hbm>>) dst(%arg5 : memref<10240xi32, #tpu.memory_space<vmem>>)
    %dma_start3A_103 = arith.constant 0 : i32
    %dma_start3A_104 = tpu.memref_slice %arg10[%dma_start3A_103] : memref<1007616xf32, #tpu.memory_space<vmem_shared>> -> memref<1007616xf32, #tpu.memory_space<vmem_shared>>
    tpu.enqueue_indirect_dma source(%dma_start3A_104 : memref<1007616xf32, #tpu.memory_space<vmem_shared>>) target(%arg8 : memref<10240xf32, #tpu.memory_space<vmem>>) offsets(%arg5 : memref<10240xi32, #tpu.memory_space<vmem>>) semaphore(%arg14 : memref<!tpu.dma_semaphore, #tpu.memory_space<semaphore_mem>>)
    %dma_wait3A_105 = arith.constant 0 : i32
    %dma_wait3A_106 = tpu.memref_slice %arg10[%dma_wait3A_105] : memref<1007616xf32, #tpu.memory_space<vmem_shared>> -> memref<1007616xf32, #tpu.memory_space<vmem_shared>>
    tpu.wait_indirect_dma semaphore(%arg15 : memref<!tpu.dma_semaphore, #tpu.memory_space<semaphore_mem>>) src(%dma_wait3A_106 : memref<1007616xf32, #tpu.memory_space<vmem_shared>>) dst(%arg9 : memref<10240xf32, #tpu.memory_space<vmem>>)
    %add3A_107 = arith.constant 51200 : i32
    %add3A_108 = arith.addi %mul3A_2, %add3A_107 : i32
    %dma_start3A_109 = tpu.memref_slice %arg4[%add3A_108] : memref<3276800xf32, #tpu.memory_space<hbm>> -> memref<10240xf32, #tpu.memory_space<hbm>>
    %dma_start3A_110 = tpu.memref_slice %arg4[%add3A_108] : memref<3276800xf32, #tpu.memory_space<hbm>> -> memref<10240xf32, #tpu.memory_space<hbm>>
    tpu.enqueue_dma source(%arg9 : memref<10240xf32, #tpu.memory_space<vmem>>) target(%dma_start3A_110 : memref<10240xf32, #tpu.memory_space<hbm>>) target_semaphore(%arg17 : memref<!tpu.dma_semaphore, #tpu.memory_space<semaphore_mem>>)
    %add3A_111 = arith.constant 81920 : i32
    %add3A_112 = arith.addi %mul3A_2, %add3A_111 : i32
    %dma_start3A_113 = tpu.memref_slice %arg2[%add3A_112] : memref<3276800xi32, #tpu.memory_space<hbm>> -> memref<10240xi32, #tpu.memory_space<hbm>>
    %dma_start3A_114 = tpu.memref_slice %arg2[%add3A_112] : memref<3276800xi32, #tpu.memory_space<hbm>> -> memref<10240xi32, #tpu.memory_space<hbm>>
    tpu.enqueue_dma source(%dma_start3A_114 : memref<10240xi32, #tpu.memory_space<hbm>>) target(%arg7 : memref<10240xi32, #tpu.memory_space<vmem>>) target_semaphore(%arg13 : memref<!tpu.dma_semaphore, #tpu.memory_space<semaphore_mem>>)
    %dma_wait3A_115 = tpu.memref_slice %arg4[%add3A_108] : memref<3276800xf32, #tpu.memory_space<hbm>> -> memref<10240xf32, #tpu.memory_space<hbm>>
    %dma_wait3A_116 = tpu.memref_slice %arg4[%add3A_108] : memref<3276800xf32, #tpu.memory_space<hbm>> -> memref<10240xf32, #tpu.memory_space<hbm>>
    tpu.wait_dma2 semaphore(%arg17 : memref<!tpu.dma_semaphore, #tpu.memory_space<semaphore_mem>>) src(%arg9 : memref<10240xf32, #tpu.memory_space<vmem>>) dst(%dma_wait3A_116 : memref<10240xf32, #tpu.memory_space<hbm>>)
    %dma_wait3A_117 = tpu.memref_slice %arg2[%add3A_96] : memref<3276800xi32, #tpu.memory_space<hbm>> -> memref<10240xi32, #tpu.memory_space<hbm>>
    %dma_wait3A_118 = tpu.memref_slice %arg2[%add3A_96] : memref<3276800xi32, #tpu.memory_space<hbm>> -> memref<10240xi32, #tpu.memory_space<hbm>>
    tpu.wait_dma2 semaphore(%arg12 : memref<!tpu.dma_semaphore, #tpu.memory_space<semaphore_mem>>) src(%dma_wait3A_118 : memref<10240xi32, #tpu.memory_space<hbm>>) dst(%arg6 : memref<10240xi32, #tpu.memory_space<vmem>>)
    %dma_start3A_119 = arith.constant 0 : i32
    %dma_start3A_120 = tpu.memref_slice %arg10[%dma_start3A_119] : memref<1007616xf32, #tpu.memory_space<vmem_shared>> -> memref<1007616xf32, #tpu.memory_space<vmem_shared>>
    tpu.enqueue_indirect_dma source(%dma_start3A_120 : memref<1007616xf32, #tpu.memory_space<vmem_shared>>) target(%arg9 : memref<10240xf32, #tpu.memory_space<vmem>>) offsets(%arg6 : memref<10240xi32, #tpu.memory_space<vmem>>) semaphore(%arg15 : memref<!tpu.dma_semaphore, #tpu.memory_space<semaphore_mem>>)
    %dma_wait3A_121 = arith.constant 0 : i32
    %dma_wait3A_122 = tpu.memref_slice %arg10[%dma_wait3A_121] : memref<1007616xf32, #tpu.memory_space<vmem_shared>> -> memref<1007616xf32, #tpu.memory_space<vmem_shared>>
    tpu.wait_indirect_dma semaphore(%arg14 : memref<!tpu.dma_semaphore, #tpu.memory_space<semaphore_mem>>) src(%dma_wait3A_122 : memref<1007616xf32, #tpu.memory_space<vmem_shared>>) dst(%arg8 : memref<10240xf32, #tpu.memory_space<vmem>>)
    %add3A_123 = arith.constant 61440 : i32
    %add3A_124 = arith.addi %mul3A_2, %add3A_123 : i32
    %dma_start3A_125 = tpu.memref_slice %arg4[%add3A_124] : memref<3276800xf32, #tpu.memory_space<hbm>> -> memref<10240xf32, #tpu.memory_space<hbm>>
    %dma_start3A_126 = tpu.memref_slice %arg4[%add3A_124] : memref<3276800xf32, #tpu.memory_space<hbm>> -> memref<10240xf32, #tpu.memory_space<hbm>>
    tpu.enqueue_dma source(%arg8 : memref<10240xf32, #tpu.memory_space<vmem>>) target(%dma_start3A_126 : memref<10240xf32, #tpu.memory_space<hbm>>) target_semaphore(%arg16 : memref<!tpu.dma_semaphore, #tpu.memory_space<semaphore_mem>>)
    %add3A_127 = arith.constant 92160 : i32
    %add3A_128 = arith.addi %mul3A_2, %add3A_127 : i32
    %dma_start3A_129 = tpu.memref_slice %arg2[%add3A_128] : memref<3276800xi32, #tpu.memory_space<hbm>> -> memref<10240xi32, #tpu.memory_space<hbm>>
    %dma_start3A_130 = tpu.memref_slice %arg2[%add3A_128] : memref<3276800xi32, #tpu.memory_space<hbm>> -> memref<10240xi32, #tpu.memory_space<hbm>>
    tpu.enqueue_dma source(%dma_start3A_130 : memref<10240xi32, #tpu.memory_space<hbm>>) target(%arg5 : memref<10240xi32, #tpu.memory_space<vmem>>) target_semaphore(%arg11 : memref<!tpu.dma_semaphore, #tpu.memory_space<semaphore_mem>>)
    %dma_wait3A_131 = tpu.memref_slice %arg4[%add3A_124] : memref<3276800xf32, #tpu.memory_space<hbm>> -> memref<10240xf32, #tpu.memory_space<hbm>>
    %dma_wait3A_132 = tpu.memref_slice %arg4[%add3A_124] : memref<3276800xf32, #tpu.memory_space<hbm>> -> memref<10240xf32, #tpu.memory_space<hbm>>
    tpu.wait_dma2 semaphore(%arg16 : memref<!tpu.dma_semaphore, #tpu.memory_space<semaphore_mem>>) src(%arg8 : memref<10240xf32, #tpu.memory_space<vmem>>) dst(%dma_wait3A_132 : memref<10240xf32, #tpu.memory_space<hbm>>)
    %dma_wait3A_133 = tpu.memref_slice %arg2[%add3A_112] : memref<3276800xi32, #tpu.memory_space<hbm>> -> memref<10240xi32, #tpu.memory_space<hbm>>
    %dma_wait3A_134 = tpu.memref_slice %arg2[%add3A_112] : memref<3276800xi32, #tpu.memory_space<hbm>> -> memref<10240xi32, #tpu.memory_space<hbm>>
    tpu.wait_dma2 semaphore(%arg13 : memref<!tpu.dma_semaphore, #tpu.memory_space<semaphore_mem>>) src(%dma_wait3A_134 : memref<10240xi32, #tpu.memory_space<hbm>>) dst(%arg7 : memref<10240xi32, #tpu.memory_space<vmem>>)
    %dma_start3A_135 = arith.constant 0 : i32
    %dma_start3A_136 = tpu.memref_slice %arg10[%dma_start3A_135] : memref<1007616xf32, #tpu.memory_space<vmem_shared>> -> memref<1007616xf32, #tpu.memory_space<vmem_shared>>
    tpu.enqueue_indirect_dma source(%dma_start3A_136 : memref<1007616xf32, #tpu.memory_space<vmem_shared>>) target(%arg8 : memref<10240xf32, #tpu.memory_space<vmem>>) offsets(%arg7 : memref<10240xi32, #tpu.memory_space<vmem>>) semaphore(%arg14 : memref<!tpu.dma_semaphore, #tpu.memory_space<semaphore_mem>>)
    %dma_wait3A_137 = arith.constant 0 : i32
    %dma_wait3A_138 = tpu.memref_slice %arg10[%dma_wait3A_137] : memref<1007616xf32, #tpu.memory_space<vmem_shared>> -> memref<1007616xf32, #tpu.memory_space<vmem_shared>>
    tpu.wait_indirect_dma semaphore(%arg15 : memref<!tpu.dma_semaphore, #tpu.memory_space<semaphore_mem>>) src(%dma_wait3A_138 : memref<1007616xf32, #tpu.memory_space<vmem_shared>>) dst(%arg9 : memref<10240xf32, #tpu.memory_space<vmem>>)
    %add3A_139 = arith.constant 71680 : i32
    %add3A_140 = arith.addi %mul3A_2, %add3A_139 : i32
    %dma_start3A_141 = tpu.memref_slice %arg4[%add3A_140] : memref<3276800xf32, #tpu.memory_space<hbm>> -> memref<10240xf32, #tpu.memory_space<hbm>>
    %dma_start3A_142 = tpu.memref_slice %arg4[%add3A_140] : memref<3276800xf32, #tpu.memory_space<hbm>> -> memref<10240xf32, #tpu.memory_space<hbm>>
    tpu.enqueue_dma source(%arg9 : memref<10240xf32, #tpu.memory_space<vmem>>) target(%dma_start3A_142 : memref<10240xf32, #tpu.memory_space<hbm>>) target_semaphore(%arg17 : memref<!tpu.dma_semaphore, #tpu.memory_space<semaphore_mem>>)
    %dma_wait3A_143 = tpu.memref_slice %arg4[%add3A_140] : memref<3276800xf32, #tpu.memory_space<hbm>> -> memref<10240xf32, #tpu.memory_space<hbm>>
    %dma_wait3A_144 = tpu.memref_slice %arg4[%add3A_140] : memref<3276800xf32, #tpu.memory_space<hbm>> -> memref<10240xf32, #tpu.memory_space<hbm>>
    tpu.wait_dma2 semaphore(%arg17 : memref<!tpu.dma_semaphore, #tpu.memory_space<semaphore_mem>>) src(%arg9 : memref<10240xf32, #tpu.memory_space<vmem>>) dst(%dma_wait3A_144 : memref<10240xf32, #tpu.memory_space<hbm>>)
    %dma_wait3A_145 = tpu.memref_slice %arg2[%add3A_128] : memref<3276800xi32, #tpu.memory_space<hbm>> -> memref<10240xi32, #tpu.memory_space<hbm>>
    %dma_wait3A_146 = tpu.memref_slice %arg2[%add3A_128] : memref<3276800xi32, #tpu.memory_space<hbm>> -> memref<10240xi32, #tpu.memory_space<hbm>>
    tpu.wait_dma2 semaphore(%arg11 : memref<!tpu.dma_semaphore, #tpu.memory_space<semaphore_mem>>) src(%dma_wait3A_146 : memref<10240xi32, #tpu.memory_space<hbm>>) dst(%arg5 : memref<10240xi32, #tpu.memory_space<vmem>>)
    %dma_start3A_147 = arith.constant 0 : i32
    %dma_start3A_148 = tpu.memref_slice %arg10[%dma_start3A_147] : memref<1007616xf32, #tpu.memory_space<vmem_shared>> -> memref<1007616xf32, #tpu.memory_space<vmem_shared>>
    tpu.enqueue_indirect_dma source(%dma_start3A_148 : memref<1007616xf32, #tpu.memory_space<vmem_shared>>) target(%arg9 : memref<10240xf32, #tpu.memory_space<vmem>>) offsets(%arg5 : memref<10240xi32, #tpu.memory_space<vmem>>) semaphore(%arg15 : memref<!tpu.dma_semaphore, #tpu.memory_space<semaphore_mem>>)
    %dma_wait3A_149 = arith.constant 0 : i32
    %dma_wait3A_150 = tpu.memref_slice %arg10[%dma_wait3A_149] : memref<1007616xf32, #tpu.memory_space<vmem_shared>> -> memref<1007616xf32, #tpu.memory_space<vmem_shared>>
    tpu.wait_indirect_dma semaphore(%arg14 : memref<!tpu.dma_semaphore, #tpu.memory_space<semaphore_mem>>) src(%dma_wait3A_150 : memref<1007616xf32, #tpu.memory_space<vmem_shared>>) dst(%arg8 : memref<10240xf32, #tpu.memory_space<vmem>>)
    %add3A_151 = arith.constant 81920 : i32
    %add3A_152 = arith.addi %mul3A_2, %add3A_151 : i32
    %dma_start3A_153 = tpu.memref_slice %arg4[%add3A_152] : memref<3276800xf32, #tpu.memory_space<hbm>> -> memref<10240xf32, #tpu.memory_space<hbm>>
    %dma_start3A_154 = tpu.memref_slice %arg4[%add3A_152] : memref<3276800xf32, #tpu.memory_space<hbm>> -> memref<10240xf32, #tpu.memory_space<hbm>>
    tpu.enqueue_dma source(%arg8 : memref<10240xf32, #tpu.memory_space<vmem>>) target(%dma_start3A_154 : memref<10240xf32, #tpu.memory_space<hbm>>) target_semaphore(%arg16 : memref<!tpu.dma_semaphore, #tpu.memory_space<semaphore_mem>>)
    %dma_wait3A_155 = arith.constant 0 : i32
    %dma_wait3A_156 = tpu.memref_slice %arg10[%dma_wait3A_155] : memref<1007616xf32, #tpu.memory_space<vmem_shared>> -> memref<1007616xf32, #tpu.memory_space<vmem_shared>>
    tpu.wait_indirect_dma semaphore(%arg15 : memref<!tpu.dma_semaphore, #tpu.memory_space<semaphore_mem>>) src(%dma_wait3A_156 : memref<1007616xf32, #tpu.memory_space<vmem_shared>>) dst(%arg9 : memref<10240xf32, #tpu.memory_space<vmem>>)
    %add3A_157 = arith.constant 92160 : i32
    %add3A_158 = arith.addi %mul3A_2, %add3A_157 : i32
    %dma_start3A_159 = tpu.memref_slice %arg4[%add3A_158] : memref<3276800xf32, #tpu.memory_space<hbm>> -> memref<10240xf32, #tpu.memory_space<hbm>>
    %dma_start3A_160 = tpu.memref_slice %arg4[%add3A_158] : memref<3276800xf32, #tpu.memory_space<hbm>> -> memref<10240xf32, #tpu.memory_space<hbm>>
    tpu.enqueue_dma source(%arg9 : memref<10240xf32, #tpu.memory_space<vmem>>) target(%dma_start3A_160 : memref<10240xf32, #tpu.memory_space<hbm>>) target_semaphore(%arg17 : memref<!tpu.dma_semaphore, #tpu.memory_space<semaphore_mem>>)
    %dma_wait3A_161 = tpu.memref_slice %arg4[%add3A_152] : memref<3276800xf32, #tpu.memory_space<hbm>> -> memref<10240xf32, #tpu.memory_space<hbm>>
    %dma_wait3A_162 = tpu.memref_slice %arg4[%add3A_152] : memref<3276800xf32, #tpu.memory_space<hbm>> -> memref<10240xf32, #tpu.memory_space<hbm>>
    tpu.wait_dma2 semaphore(%arg16 : memref<!tpu.dma_semaphore, #tpu.memory_space<semaphore_mem>>) src(%arg8 : memref<10240xf32, #tpu.memory_space<vmem>>) dst(%dma_wait3A_162 : memref<10240xf32, #tpu.memory_space<hbm>>)
    %dma_wait3A_163 = tpu.memref_slice %arg4[%add3A_158] : memref<3276800xf32, #tpu.memory_space<hbm>> -> memref<10240xf32, #tpu.memory_space<hbm>>
    %dma_wait3A_164 = tpu.memref_slice %arg4[%add3A_158] : memref<3276800xf32, #tpu.memory_space<hbm>> -> memref<10240xf32, #tpu.memory_space<hbm>>
    tpu.wait_dma2 semaphore(%arg17 : memref<!tpu.dma_semaphore, #tpu.memory_space<semaphore_mem>>) src(%arg9 : memref<10240xf32, #tpu.memory_space<vmem>>) dst(%dma_wait3A_164 : memref<10240xf32, #tpu.memory_space<hbm>>)
    return
  }
}

module attributes {stable_mosaic.version = 14 : i64} {
  func.func @_fuse_body(%arg0: i32, %arg1: memref<5xf32, #tpu.memory_space<smem>>, %arg2: memref<125952xi32, #tpu.memory_space<vmem>>, %arg3: memref<125952xf32, #tpu.memory_space<vmem>>) attributes {dimension_semantics = [#tpu.dimension_semantics<arbitrary>], iteration_bounds = array<i64: 8>, scalar_prefetch = 0 : i64, scratch_operands = 0 : i64, tpu.core_type = #tpu.core_type<tc>, window_params = [{transform_indices = @transform_0, window_bounds = array<i64: 5>}, {transform_indices = @transform_1, window_bounds = array<i64: 125952>}, {transform_indices = @transform_2, window_bounds = array<i64: 125952>}]} {
    %get3A = arith.constant 0 : index
    %get3A_0 = vector.load %arg2[%get3A] : memref<125952xi32, #tpu.memory_space<vmem>>, vector<125952xi32>
    %add3A = arith.constant 1 : i32
    %add3A_1 = vector.broadcast %add3A : i32 to vector<125952xi32>
    %add3A_2 = arith.addi %get3A_0, %add3A_1 : vector<125952xi32>
    %max3A = arith.constant 0 : i32
    %max3A_3 = vector.broadcast %max3A : i32 to vector<125952xi32>
    %max3A_4 = arith.maxsi %add3A_2, %max3A_3 : vector<125952xi32>
    %min3A = arith.constant 4 : i32
    %min3A_5 = vector.broadcast %min3A : i32 to vector<125952xi32>
    %min3A_6 = arith.minsi %max3A_4, %min3A_5 : vector<125952xi32>
    %get3A_7 = arith.constant 0 : index
    %get3A_8 = memref.load %arg1[%get3A_7] : memref<5xf32, #tpu.memory_space<smem>>
    %broadcast_in_dim3A = vector.broadcast %get3A_8 : f32 to vector<125952xf32>
    %eq3A = arith.constant 1 : i32
    %eq3A_9 = vector.broadcast %eq3A : i32 to vector<125952xi32>
    %eq3A_10 = arith.cmpi eq, %min3A_6, %eq3A_9 : vector<125952xi32>
    %get3A_11 = arith.constant 1 : index
    %get3A_12 = memref.load %arg1[%get3A_11] : memref<5xf32, #tpu.memory_space<smem>>
    %broadcast_in_dim3A_13 = vector.broadcast %get3A_12 : f32 to vector<125952xf32>
    %select_n3A = arith.select %eq3A_10, %broadcast_in_dim3A_13, %broadcast_in_dim3A : vector<125952xi1>, vector<125952xf32>
    %eq3A_14 = arith.constant 2 : i32
    %eq3A_15 = vector.broadcast %eq3A_14 : i32 to vector<125952xi32>
    %eq3A_16 = arith.cmpi eq, %min3A_6, %eq3A_15 : vector<125952xi32>
    %get3A_17 = arith.constant 2 : index
    %get3A_18 = memref.load %arg1[%get3A_17] : memref<5xf32, #tpu.memory_space<smem>>
    %broadcast_in_dim3A_19 = vector.broadcast %get3A_18 : f32 to vector<125952xf32>
    %select_n3A_20 = arith.select %eq3A_16, %broadcast_in_dim3A_19, %select_n3A : vector<125952xi1>, vector<125952xf32>
    %eq3A_21 = arith.constant 3 : i32
    %eq3A_22 = vector.broadcast %eq3A_21 : i32 to vector<125952xi32>
    %eq3A_23 = arith.cmpi eq, %min3A_6, %eq3A_22 : vector<125952xi32>
    %get3A_24 = arith.constant 3 : index
    %get3A_25 = memref.load %arg1[%get3A_24] : memref<5xf32, #tpu.memory_space<smem>>
    %broadcast_in_dim3A_26 = vector.broadcast %get3A_25 : f32 to vector<125952xf32>
    %select_n3A_27 = arith.select %eq3A_23, %broadcast_in_dim3A_26, %select_n3A_20 : vector<125952xi1>, vector<125952xf32>
    %eq3A_28 = arith.constant 4 : i32
    %eq3A_29 = vector.broadcast %eq3A_28 : i32 to vector<125952xi32>
    %eq3A_30 = arith.cmpi eq, %min3A_6, %eq3A_29 : vector<125952xi32>
    %get3A_31 = arith.constant 4 : index
    %get3A_32 = memref.load %arg1[%get3A_31] : memref<5xf32, #tpu.memory_space<smem>>
    %broadcast_in_dim3A_33 = vector.broadcast %get3A_32 : f32 to vector<125952xf32>
    %select_n3A_34 = arith.select %eq3A_30, %broadcast_in_dim3A_33, %select_n3A_27 : vector<125952xi1>, vector<125952xf32>
    %swap3A = arith.constant 0 : index
    %swap3A_35 = vector.load %arg3[%swap3A] : memref<125952xf32, #tpu.memory_space<vmem>>, vector<125952xf32>
    tpu.vector_store %arg3[%swap3A], %select_n3A_34 {strides = array<i32>} : memref<125952xf32, #tpu.memory_space<vmem>>, vector<125952xf32>,
    %eq3A_36 = arith.constant 0 : i32
    %eq3A_37 = arith.cmpi eq, %arg0, %eq3A_36 : i32
    %convert_element_type3A = arith.extui %eq3A_37 : i1 to i32
    %cond3A = arith.constant 0 : i32
    %cond3A_38 = arith.cmpi ne, %convert_element_type3A, %cond3A : i32
    scf.if %cond3A_38 {
      %get3A_39 = arith.constant 0 : index
      %get3A_40 = vector.load %arg3[%get3A_39] : memref<125952xf32, #tpu.memory_space<vmem>>, vector<1024xf32>
      %reshape3A = vector.shape_cast %get3A_40 : vector<1024xf32> to vector<8x128xf32>
      %iota3A = tpu.iota {dimensions = array<i32: 0>} : vector<8x128xi32>
      %mul3A = arith.constant 128 : i32
      %mul3A_41 = vector.broadcast %mul3A : i32 to vector<8x128xi32>
      %mul3A_42 = arith.muli %iota3A, %mul3A_41 : vector<8x128xi32>
      %iota3A_43 = tpu.iota {dimensions = array<i32: 1>} : vector<8x128xi32>
      %add3A_44 = arith.addi %mul3A_42, %iota3A_43 : vector<8x128xi32>
      %eq3A_45 = arith.constant 2 : i32
      %eq3A_46 = vector.broadcast %eq3A_45 : i32 to vector<8x128xi32>
      %eq3A_47 = arith.cmpi eq, %add3A_44, %eq3A_46 : vector<8x128xi32>
      %jit3A = arith.constant 2.000000e+00 : f32
      %jit3A_48 = arith.constant 0.000000e+00 : f32
      %broadcast_in_dim3A_49 = vector.broadcast %jit3A : f32 to vector<8x128xf32>
      %broadcast_in_dim3A_50 = vector.broadcast %jit3A_48 : f32 to vector<8x128xf32>
      %select_n3A_51 = arith.select %eq3A_47, %broadcast_in_dim3A_49, %broadcast_in_dim3A_50 : vector<8x128xi1>, vector<8x128xf32>
      %add3A_52 = arith.addf %reshape3A, %select_n3A_51 : vector<8x128xf32>
      %reshape3A_53 = vector.shape_cast %add3A_52 : vector<8x128xf32> to vector<1024xf32>
      %swap3A_54 = arith.constant 0 : index
      %swap3A_55 = vector.load %arg3[%swap3A_54] : memref<125952xf32, #tpu.memory_space<vmem>>, vector<1024xf32>
      tpu.vector_store %arg3[%swap3A_54], %reshape3A_53 {strides = array<i32>} : memref<125952xf32, #tpu.memory_space<vmem>>, vector<1024xf32>,
    } else {
    }
    return
  }
  func.func @transform_0(%arg0: i32) -> i32 {
    %c0_i32 = arith.constant 0 : i32
    %c0_i32_0 = arith.constant 0 : i32
    return %c0_i32 : i32
  }
  func.func @transform_1(%arg0: i32) -> i32 {
    %c0_i32 = arith.constant 0 : i32
    return %arg0 : i32
  }
  func.func @transform_2(%arg0: i32) -> i32 {
    %c0_i32 = arith.constant 0 : i32
    return %arg0 : i32
  }
}

</mosaic_0001>

<sc_bundles>
// kernel: kernel.4.cloned.1.call-start
scs
__scs_entry_jumppad:
0x0: {  	(pc) =	sbr.rel $0x88, $3  }
0x1: {  	(tag) =	ssettag $0x0;
	lr =	simm.s32 $0x1  }
0x2: {  	[smem:$0x3F9E] =	sst lr;
	_ =	strace $0xD0000000  }
0x3: {  	_ = 	snop  }
0x4: {  	_ = 	snop  }
0x5: {  	_ = 	snop  }
0x6: {  	_ = 	snop  }
0x7: {  	_ = 	snop  }
__scs_overlays_trampoline_lowered:
0x8: {  	[smem:$0x3FAD] =	sst s0  }
0x9: {  	[smem:$0x3FAE] =	sst s1  }
0xa: {  	[smem:$0x3FAF] =	sst s2  }
0xb: {  	[smem:$0x3FB0] =	sst s3  }
0xc: {  	[smem:$0x3FB1] =	sst s4  }
0xd: {  	[smem:$0x3FB2] =	sst s5  }
0xe: {  	[smem:$0x3FB3] =	sst s6  }
0xf: {  	[smem:$0x3FB4] =	sst s7  }
0x10: {  	[smem:$0x3FB5] =	sst s8  }
0x11: {  	[smem:$0x3FB6] =	sst s9;
	s0 =	simm.s32 @!p0 $0x0  }
0x12: {  	s1 =	sld [smem:$0x3F9C];
	s0 =	simm.s32 @p0 $0x1  }
0x13: {  	[smem:$0x3FB7] =	sst s0;
	s0 =	simm.s32 @!p1 $0x0  }
0x14: {  	s2 =	sld [smem:$0x3F9B];
	s0 =	simm.s32 @p1 $0x1  }
0x15: {  	[smem:$0x3FB8] =	sst s0;
	s0 =	simm.s32 @!p2 $0x0  }
0x16: {  	s3 =	sld [smem:$0x3FDB];
	s0 =	simm.s32 @p2 $0x1  }
0x17: {  	s4 =	simm.s32 $0x1BF5;
	[smem:$0x3FBA] =	sst s0  }
0x18: {  	s0 =	sld [smem:$0x3F9D];
	_ =	swait.ge [sflag:s4], $0x0  }
0x19: {  	s7 =	sld [smem:$0x3F9E]  }
0x1a: {  	s8 =	sadd.s32 $0xFFFFE003, lr  }
0x1b: {  	s9 =	sadd.s32 $0xFFFFFEF7, lr;
	s5 =	simm.s32 $0xFFFFFFFF;
	p2 =	slt.u32 s8, $0xFFFFF086  }
0x1c: {  	p1 =	slt.u32 s9, $0xF7A;
	s5 =	simm.s32 @!p2 $0x0  }
0x1d: {  	s5 =	simm.s32 @p1 $0x1;
	p0 =	seq.s32 s7, s2  }
0x1e: {  	s7 =	smul.u32 @!p0 $0xF7A, s2;
	p2 =	seq.s32 @!p0 s5, $0x0  }
0x1f: {  	s9 =	smul.u32 $0xF7A, s1;
	s8 =	simm.s32 @!p0 $0x1BF5;
	p2 =	por !p2, p0  }
0x20: {  	[sflag:s8] =	ssyncset.s32 @!p0 $0xFFFFF086;
	s6 =	sadd.s32 @!p0 s3, s7;
	s7 =	simm.s32 @!p0 $0x108  }
0x21: {  	s3 =	sadd.s32 s3, s9;
	s6 =	sadd.s32 @!p0 $0x88, s6;
	s7 =	simm.s32 @p2 $0x1082  }
0x22: {  	[simem:s7], [sflag:s8] =	dma.local @!p0 [hbm:s6], $0xF7A  }
0x23: {  	s9 =	sor.u32 $0xD0000000, s2;
	s6 =	simm.s32 $0x108;
	_ =	swait.ge @!p0 [sflag:s8], $0x0  }
0x24: {  	s3 =	sadd.s32 $0x88, s3;
	s6 =	simm.s32 @!p1 $0x1082;
	[sflag:s4] =	ssyncset.s32 $0xFFFFF086  }
0x25: {  	[simem:s6], [sflag:s4] =	dma.local [hbm:s3], $0xF7A  }
0x26: {  	[smem:$0x3F9E] =	sst s1;
	(tag) =	ssettag s2;
	_ =	strace s9  }
0x27: {  	s1 =	sld [smem:$0x3FAE]  }
0x28: {  	s2 =	sld [smem:$0x3FAF]  }
0x29: {  	s4 =	sld [smem:$0x3FB1]  }
0x2a: {  	p0 =	seq.s32 s5, $0x0;
	s5 =	sld [smem:$0x3FB2]  }
0x2b: {  	s6 =	sld [smem:$0x3FB3]  }
0x2c: {  	s7 =	sld [smem:$0x3FB4]  }
0x2d: {  	s3 =	simm.s32 $0x108;
	s8 =	sld [smem:$0x3FB5]  }
0x2e: {  	s3 =	simm.s32 @!p0 $0x1082;
	s9 =	sld [smem:$0x3FB6]  }
0x2f: {  	lr =	sadd.s32 s0, s3;
	s0 =	sld [smem:$0x3FAD]  }
0x30: {  	s3 =	sld [smem:$0x3FB0]  }
0x31: {  	[smem:$0x3FB9] =	sst s10  }
0x32: {  	s10 =	sld [smem:$0x3FB7];
	_ =	sdelay $0x3  }
0x33: {  	p0 =	seq.s32 s10, $0x1;
	s10 =	sld [smem:$0x3FB9];
	_ =	sdelay $0x3  }
0x34: {  	[smem:$0x3FB9] =	sst s10  }
0x35: {  	s10 =	sld [smem:$0x3FB8];
	_ =	sdelay $0x3  }
0x36: {  	p1 =	seq.s32 s10, $0x1;
	s10 =	sld [smem:$0x3FB9];
	_ =	sdelay $0x3  }
0x37: {  	[smem:$0x3FB9] =	sst s10  }
0x38: {  	s10 =	sld [smem:$0x3FBA]  }
0x39: {  	_ = 	snop;
	(pc) =	sbr.ind lr, $3  }
0x3a: {  	_ = 	snop  }
0x3b: {  	_ = 	snop  }
0x3c: {  	p2 =	seq.s32 s10, $0x1;
	s10 =	sld [smem:$0x3FB9]  }
0x3d: {  	_ =	shalt  }
0x3e: {  	_ =	shalt  }
0x3f: {  	_ =	shalt  }
0x40: {  	_ =	shalt  }
0x41: {  	_ =	shalt  }
0x42: {  	_ =	shalt  }
0x43: {  	_ =	shalt  }
0x44: {  	_ =	shalt  }
0x45: {  	_ =	shalt  }
0x46: {  	_ =	shalt  }
0x47: {  	_ =	shalt  }
0x48: {  	_ =	shalt  }
0x49: {  	_ =	shalt  }
0x4a: {  	_ =	shalt  }
0x4b: {  	_ =	shalt  }
0x4c: {  	_ =	shalt  }
0x4d: {  	_ =	shalt  }
0x4e: {  	_ =	shalt  }
0x4f: {  	_ =	shalt  }
0x50: {  	_ =	shalt  }
0x51: {  	_ =	shalt  }
0x52: {  	_ =	shalt  }
0x53: {  	_ =	shalt  }
0x54: {  	_ =	shalt  }
0x55: {  	_ =	shalt  }
0x56: {  	_ =	shalt  }
0x57: {  	_ =	shalt  }
0x58: {  	_ =	shalt  }
0x59: {  	_ =	shalt  }
0x5a: {  	_ =	shalt  }
0x5b: {  	_ =	shalt  }
0x5c: {  	_ =	shalt  }
0x5d: {  	_ =	shalt  }
0x5e: {  	_ =	shalt  }
0x5f: {  	_ =	shalt  }
0x60: {  	_ =	shalt  }
0x61: {  	_ =	shalt  }
0x62: {  	_ =	shalt  }
0x63: {  	_ =	shalt  }
0x64: {  	_ =	shalt  }
0x65: {  	_ =	shalt  }
0x66: {  	_ =	shalt  }
0x67: {  	_ =	shalt  }
0x68: {  	_ =	shalt  }
0x69: {  	_ =	shalt  }
0x6a: {  	_ =	shalt  }
0x6b: {  	_ =	shalt  }
0x6c: {  	_ =	shalt  }
0x6d: {  	_ =	shalt  }
0x6e: {  	_ =	shalt  }
0x6f: {  	_ =	shalt  }
0x70: {  	_ =	shalt  }
0x71: {  	_ =	shalt  }
0x72: {  	_ =	shalt  }
0x73: {  	_ =	shalt  }
0x74: {  	_ =	shalt  }
0x75: {  	_ =	shalt  }
0x76: {  	_ =	shalt  }
0x77: {  	_ =	shalt  }
0x78: {  	_ =	shalt  }
0x79: {  	_ =	shalt  }
0x7a: {  	_ =	shalt  }
0x7b: {  	_ =	shalt  }
0x7c: {  	_ =	shalt  }
0x7d: {  	_ =	shalt  }
0x7e: {  	_ =	shalt  }
0x7f: {  	_ =	shalt  }
0x80: {  	_ =	shalt  }
0x81: {  	_ =	shalt  }
0x82: {  	_ =	shalt  }
0x83: {  	_ =	shalt  }
0x84: {  	_ =	shalt  }
0x85: {  	_ =	shalt  }
0x86: {  	_ =	shalt  }
0x87: {  	_ =	shalt  }
.Lfunc_end0:
.L_simem_size_0:
called_computation_lowered:
.L_overlay_start_0:
0x88: {  	s2 =	sld [smem:$0x3FD9]  }
0x89: {  	s3 =	sld [smem:$0x3FFE];
	_ =	sdelay $0x1  }
0x8a: {  	s1 =	srdreg.scid  }
0x8b: {  	s0 =	sand.u32 $0x1, s1  }
0x8c: {  	s17 =	sshll.u32 s0, $0xA;
	s2 =	sadd.s32 s3, s2  }
0x8d: {  	s2 =	sadd.s32 s2, s17  }
0x8e: {  	[smem:$0x3FC5] =	sst s2  }
0x8f: {  	_ = 	snop  }
0x90: {  	s2 =	sld [smem:$0x3FD0];
	(tm) =	ssettm $0x1  }
0x91: {  	s18 =	sld [smem:$0x3FFB];
	_ =	sdelay $0x3  }
0x92: {  	_ =	strace s18  }
0x93: {  	s3 =	sld [smem:$0x3FFC];
	_ =	sdelay $0x3  }
0x94: {  	_ =	strace s3  }
0x95: {  	s3 =	sld [smem:$0x3FFD];
	_ =	sdelay $0x3  }
0x96: {  	_ =	strace s3  }
0x97: {  	_ =	strace $0x8FFFFFFF  }
0x98: {  	s19 =	sld [smem:$0x3FDB];
	_ =	sdelay $0x1  }
0x99: {  	s4 =	simm.s32 $_scs_section_size  }
0x9a: {  	s5 =	simm.s32 $_size__tile_overlayer_lowered;
	s6 =	simm.s32 $_tile_overlayer_lowered  }
0x9b: {  	s22 =	simm.s32 $0x1BFF;
	s21 =	sshll.u32 s6, $0x1;
	s3 =	sadd.s32 s4, s19  }
0x9c: {  	s7 =	simm.s32 $0x0;
	s20 =	sshll.u32 s5, $0x1;
	s5 =	sadd.s32 s21, s3  }
0x9d: {  	[timem:s7], [sflag:s22] =	dma.local [hbm:s5], s20  }
0x9e: {  	_ =	swait.ge [sflag:s22], s20  }
0x9f: {  	s4 =	ssub.s32 $0x0, s20;
	[sflag:s22] =	ssyncset.done $0x0  }
0xa0: {  	[sflag:s22] =	ssyncadd.s32 s4;
	_ =	sdelay $0x1  }
0xa1: {  	s23 =	simm.s32 $0x1B8B  }
0xa2: {  	_ =	swait.ge [sflag:s23], $0x1  }
0xa3: {  	[sflag:s23] =	ssyncset.done $0x0  }
0xa4: {  	s25 =	simm.s32 $0x1B8E;
	s24 =	sld [smem:$0x3FFE];
	[sflag:s23] =	ssyncadd.s32 $0xFFFFFFFF  }
0xa5: {  	s26 =	simm.s32 $execute0_lowered;
	[smem:$0x3FD2] =	sst s25  }
0xa6: {  	s5 =	sshll.u32 s26, $0x1;
	_ =	strace $0x80000046;
	[dreg:$0x1] =	wrdreg $0xFFFFFFFF  }
0xa7: {  	s28 =	simm.s32 $_size_execute0_lowered;
	s3 =	sadd.s32 s3, s5;
	[dreg:$0x0] =	wrdreg $0x0  }
0xa8: {  	s5 =	sshll.u32 s28, $0x1;
	[dreg:$0x2] =	wrdreg s3  }
0xa9: {  	[dreg:$0x3] =	wrdreg s5  }
0xaa: {  	[dreg:$0x4] =	wrdreg $0xC0  }
0xab: {  	_ =	task [dreg:s7], $0x5FFFF  }
0xac: {  	[dreg:$0x1] =	wrdreg $0xFFFFFFFF  }
0xad: {  	[dreg:$0x0] =	wrdreg $0x60  }
0xae: {  	[dreg:$0x2] =	wrdreg s2  }
0xaf: {  	[dreg:$0x3] =	wrdreg s24  }
0xb0: {  	[dreg:$0x4] =	wrdreg $0xC8000  }
0xb1: {  	[dreg:$0x5] =	wrdreg $0x9  }
0xb2: {  	_ =	task.clear_ibuf [dreg:s7], $0x6FFFF;
	_ =	strace $0x90000046  }
0xb3: {  	s29 =	simm.s32 $0x9;
	_ =	strace $0x80000048  }
0xb4: {  	_ =	swait.ge [sflag:s29], $0x1  }
0xb5: {  	[sflag:s29] =	ssyncadd.s32 $0xFFFFFFFF  }
0xb6: {  	_ =	strace $0x90000048  }
0xb7: {  	_ =	sfence  }
0xb8: {  	s30 =	sld [smem:$0x0];
	_ =	sdelay $0x2  }
0xb9: {  	s31 =	sshll.u32 s1, $0xD;
	s1 =	sshrl.u32 s1, $0x2  }
0xba: {  	s3 =	sand.u32 $0x4000, s31;
	s1 =	sadd.s32 s1, s30  }
0xbb: {  	s0 =	sor.u32 s3, s0;
	s1 =	sshll.u32 s1, $0x11  }
0xbc: {  	s0 =	sor.u32 s1, s0  }
0xbd: {  	s0 =	sadd.s32 $0x8F2B, s0  }
0xbe: {  	[sflag:s0] =	ssyncadd.remote.s32 $0x1  }
0xbf: {  	_ =	sfence.sel $0xFFFF  }
0xc0: {  	[dreg:$0x0] =	wrdreg $0xFFFFFFFF;
	(pc) =	sbr.abs _section_cstart, $3  }
0xc1: {  	[dreg:$0x1] =	wrdreg $0xFFFFFFFF  }
0xc2: {  	_ =	task.clear_ibuf [dreg:s7], $0x2FFFF;
	_ =	strace $0x9FFFFFFF  }
0xc3: {  	(tm) =	ssettm $0x7FFFFFFF  }
tec
execute0_lowered:
.L_overlay_start_1:
0x0: {  	(tag) =	ssettag $0x1  }
0x1: {  	s28 =	rddreg [dreg:$0x0]  }
0x2: {  	s1 =	srdreg.scid;
	s4 =	rddreg [dreg:$0x1]  }
0x3: {  	s0 =	stileid.u32;
	s2 =	rddreg [dreg:$0x2];
	s17 =	sand.u32 $0x1, s1  }
0x4: {  	s3 =	sshll.u32 s0, $0x1;
	s6 =	smul.u32 $0xF600, s0;
	s12 =	sshll.u32 s0, $0x6  }
0x5: {  	s5 =	sor.u32 s17, s3;
	s3 =	simm.s32 $0x0;
	s13 =	sor.u32 $0x1C08, s12  }
0x6: {  	s5 =	smul.u32 $0x19000, s5;
	[smem:$0x7FF] =	sst s3;
	s10 =	sshrl.u32 s6, $0x3  }
0x7: {  	s24 =	sadd.s32 s6, s2;
	_ =	strace $0x80000047;
	[dreg:$0x7] =	wrdreg s13  }
0x8: {  	s25 =	sshrl.u32 s24, $0x3;
	s29 =	sshrl.u32 s5, $0x3;
	s9 =	rddreg [dreg:$0x7]  }
0x9: {  	s5 =	sadd.s32 s10, s4;
	[dreg:$0xc] =	wrdreg s25;
	s7 =	sadd.s32 s28, s29  }
0xa: {  	s31 =	sadd.s32 $0x1F600, s4;
	s5 =	sadd.s32 $0xA00, s5;
	[dreg:$0x4] =	wrdreg s7  }
0xb: {  	s8 =	sadd.s32 $0x500, s29;
	s15 =	sadd.s32 s31, s29;
	[dreg:$0x6] =	wrdreg s5  }
0xc: {  	s18 =	sadd.s32 $0xA00, s29;
	s11 =	sadd.s32 s28, s8;
	[dreg:$0x9] =	wrdreg s15  }
0xd: {  	s20 =	sadd.s32 $0xF00, s29;
	s14 =	sadd.s32 s28, s18;
	[dreg:$0x5] =	wrdreg s11  }
0xe: {  	s16 =	sadd.s32 s28, s20;
	[dreg:$0x8] =	wrdreg s14  }
0xf: {  	s19 =	sadd.s32 s31, s8;
	[dreg:$0xa] =	wrdreg s16  }
0x10: {  	[dreg:$0xb] =	wrdreg s19  }
0x11: {  	s21 =	rddreg [dreg:$0x4]  }
0x12: {  	s23 =	rddreg [dreg:$0x6]  }
0x13: {  	[tilespmem:s3], [sflag:$0x1] =	stream.linear.gather [hbm4b:s21+s3], $0x2800, $0x38;
	[tilespmem:$0x1BE00] =	vst v63  }
0x14: {  	s6 =	simm.s32 $0x8;
	s4 =	simm.s32 $0x2800;
	s22 =	rddreg [dreg:$0x5]  }
0x15: {  	[tilespmem:s4], [sflag:$0x2] =	stream.linear.gather [hbm4b:s22+s3], $0x2800, $0x38;
	[tilespmem:$0x1BE00] =	vst v63  }
0x16: {  	[spmem:s25], [sflag:s9] =	dma.local [hbm:s23], $0x1EC0  }
0x17: {  	_ =	swait.ge [sflag:s6], $0x1EC0  }
0x18: {  	[sflag:s6] =	ssyncset.done $0x0  }
0x19: {  	[sflag:s6] =	ssyncadd.s32 $0xFFFFE140  }
0x1a: {  	s7 =	simm.s32 $0x1;
	[bflag:$0x0] =	sbarrier.arrive $0xFFFF  }
0x1b: {  	_ =	swait.ge [sflag:s7], $0x2800  }
0x1c: {  	[sflag:s7] =	ssyncset.done $0x0  }
0x1d: {  	s8 =	simm.s32 $0x7800;
	[sflag:s7] =	ssyncadd.s32 $0xFFFFD800  }
0x1e: {  	[tilespmem:s8], [sflag:$0x4] =	stream.indirect.gather [spmem:s2], $0x1, s3, s4, $0xb8;
	[tilespmem:$0x1BE00] =	vst v63  }
0x1f: {  	s10 =	simm.s32 $0x2;
	s9 =	simm.s32 $0x5000;
	s11 =	rddreg [dreg:$0x8]  }
0x20: {  	[tilespmem:s9], [sflag:$0x3] =	stream.linear.gather [hbm4b:s11+s3], $0x2800, $0x38;
	[tilespmem:$0x1BE00] =	vst v63  }
0x21: {  	_ =	swait.ge [sflag:s10], $0x2800  }
0x22: {  	[sflag:s10] =	ssyncset.done $0x0  }
0x23: {  	s12 =	simm.s32 $0x4;
	s11 =	simm.s32 $0xA000;
	[sflag:s10] =	ssyncadd.s32 $0xFFFFD800  }
0x24: {  	[tilespmem:s11], [sflag:$0x5] =	stream.indirect.gather [spmem:s2], $0x1, s4, s4, $0xb8;
	[tilespmem:$0x1BE00] =	vst v63  }
0x25: {  	_ =	swait.ge [sflag:s12], $0x2800  }
0x26: {  	[sflag:s12] =	ssyncset.done $0x0  }
0x27: {  	s13 =	rddreg [dreg:$0x9];
	[sflag:s12] =	ssyncadd.s32 $0xFFFFD800  }
0x28: {  	[hbm4b:s13+s3] =	stream.linear.scatter [tilespmem:s8], [sflag:$0x6], $0x2800, $0x38;
	[tilespmem:$0x1BE00] =	vst v63  }
0x29: {  	s14 =	rddreg [dreg:$0xa];
	s13 =	simm.s32 $0x6  }
0x2a: {  	[tilespmem:s3], [sflag:$0x1] =	stream.linear.gather [hbm4b:s14+s3], $0x2800, $0x38;
	[tilespmem:$0x1BE00] =	vst v63  }
0x2b: {  	_ =	swait.ge [sflag:s13], $0x2800  }
0x2c: {  	[sflag:s13] =	ssyncset.done $0x0  }
0x2d: {  	s14 =	simm.s32 $0x3;
	[sflag:s13] =	ssyncadd.s32 $0xFFFFD800  }
0x2e: {  	_ =	swait.ge [sflag:s14], $0x2800  }
0x2f: {  	[sflag:s14] =	ssyncset.done $0x0  }
0x30: {  	s15 =	simm.s32 $0x5;
	[sflag:s14] =	ssyncadd.s32 $0xFFFFD800  }
0x31: {  	[tilespmem:s8], [sflag:$0x4] =	stream.indirect.gather [spmem:s2], $0x1, s9, s4, $0xb8;
	[tilespmem:$0x1BE00] =	vst v63  }
0x32: {  	_ =	swait.ge [sflag:s15], $0x2800  }
0x33: {  	s22 =	sadd.s32 $0x1400, s29;
	[sflag:s15] =	ssyncset.done $0x0  }
0x34: {  	s26 =	sadd.s32 s28, s22;
	s16 =	rddreg [dreg:$0xb];
	[sflag:s15] =	ssyncadd.s32 $0xFFFFD800  }
0x35: {  	[hbm4b:s16+s3] =	stream.linear.scatter [tilespmem:s11], [sflag:$0x7], $0x2800, $0x38;
	[tilespmem:$0x1BE00] =	vst v63  }
0x36: {  	[dreg:$0xd] =	wrdreg s26;
	s16 =	simm.s32 $0x7  }
0x37: {  	[tilespmem:s4], [sflag:$0x2] =	stream.linear.gather [hbm4b:s26+s3], $0x2800, $0x38;
	[tilespmem:$0x1BE00] =	vst v63  }
0x38: {  	_ =	swait.ge [sflag:s16], $0x2800  }
0x39: {  	[sflag:s16] =	ssyncset.done $0x0  }
0x3a: {  	[sflag:s16] =	ssyncadd.s32 $0xFFFFD800  }
0x3b: {  	_ =	swait.ge [sflag:s7], $0x2800  }
0x3c: {  	[sflag:s7] =	ssyncset.done $0x0  }
0x3d: {  	[sflag:s7] =	ssyncadd.s32 $0xFFFFD800  }
0x3e: {  	[tilespmem:s11], [sflag:$0x5] =	stream.indirect.gather [spmem:s2], $0x1, s3, s4, $0xb8;
	[tilespmem:$0x1BE00] =	vst v63  }
0x3f: {  	_ =	swait.ge [sflag:s12], $0x2800  }
0x40: {  	[sflag:s12] =	ssyncset.done $0x0  }
0x41: {  	s24 =	sadd.s32 $0x1900, s29;
	s18 =	sadd.s32 s31, s18;
	[sflag:s12] =	ssyncadd.s32 $0xFFFFD800  }
0x42: {  	[hbm4b:s18+s3] =	stream.linear.scatter [tilespmem:s8], [sflag:$0x6], $0x2800, $0x38;
	[tilespmem:$0x1BE00] =	vst v63  }
0x43: {  	s19 =	sadd.s32 s28, s24  }
0x44: {  	[tilespmem:s9], [sflag:$0x3] =	stream.linear.gather [hbm4b:s19+s3], $0x2800, $0x38;
	[tilespmem:$0x1BE00] =	vst v63  }
0x45: {  	_ =	swait.ge [sflag:s13], $0x2800  }
0x46: {  	[sflag:s13] =	ssyncset.done $0x0  }
0x47: {  	[sflag:s13] =	ssyncadd.s32 $0xFFFFD800  }
0x48: {  	_ =	swait.ge [sflag:s10], $0x2800  }
0x49: {  	[sflag:s10] =	ssyncset.done $0x0  }
0x4a: {  	[sflag:s10] =	ssyncadd.s32 $0xFFFFD800  }
0x4b: {  	[tilespmem:s8], [sflag:$0x4] =	stream.indirect.gather [spmem:s2], $0x1, s4, s4, $0xb8;
	[tilespmem:$0x1BE00] =	vst v63  }
0x4c: {  	_ =	swait.ge [sflag:s15], $0x2800  }
0x4d: {  	[sflag:s15] =	ssyncset.done $0x0  }
0x4e: {  	s20 =	sadd.s32 s31, s20;
	s26 =	sadd.s32 $0x1E00, s29;
	[sflag:s15] =	ssyncadd.s32 $0xFFFFD800  }
0x4f: {  	[hbm4b:s20+s3] =	stream.linear.scatter [tilespmem:s11], [sflag:$0x7], $0x2800, $0x38;
	[tilespmem:$0x1BE00] =	vst v63  }
0x50: {  	s21 =	sadd.s32 s28, s26  }
0x51: {  	[tilespmem:s3], [sflag:$0x1] =	stream.linear.gather [hbm4b:s21+s3], $0x2800, $0x38;
	[tilespmem:$0x1BE00] =	vst v63  }
0x52: {  	_ =	swait.ge [sflag:s16], $0x2800  }
0x53: {  	[sflag:s16] =	ssyncset.done $0x0  }
0x54: {  	[sflag:s16] =	ssyncadd.s32 $0xFFFFD800  }
0x55: {  	_ =	swait.ge [sflag:s14], $0x2800  }
0x56: {  	[sflag:s14] =	ssyncset.done $0x0  }
0x57: {  	[sflag:s14] =	ssyncadd.s32 $0xFFFFD800  }
0x58: {  	[tilespmem:s11], [sflag:$0x5] =	stream.indirect.gather [spmem:s2], $0x1, s9, s4, $0xb8;
	[tilespmem:$0x1BE00] =	vst v63  }
0x59: {  	_ =	swait.ge [sflag:s12], $0x2800  }
0x5a: {  	[sflag:s12] =	ssyncset.done $0x0  }
0x5b: {  	s30 =	sadd.s32 $0x2300, s29;
	s22 =	sadd.s32 s31, s22;
	[sflag:s12] =	ssyncadd.s32 $0xFFFFD800  }
0x5c: {  	[hbm4b:s22+s3] =	stream.linear.scatter [tilespmem:s8], [sflag:$0x6], $0x2800, $0x38;
	[tilespmem:$0x1BE00] =	vst v63  }
0x5d: {  	s23 =	sadd.s32 s28, s30  }
0x5e: {  	[tilespmem:s4], [sflag:$0x2] =	stream.linear.gather [hbm4b:s23+s3], $0x2800, $0x38;
	[tilespmem:$0x1BE00] =	vst v63  }
0x5f: {  	_ =	swait.ge [sflag:s13], $0x2800  }
0x60: {  	[sflag:s13] =	ssyncset.done $0x0  }
0x61: {  	[sflag:s13] =	ssyncadd.s32 $0xFFFFD800  }
0x62: {  	_ =	swait.ge [sflag:s7], $0x2800  }
0x63: {  	[sflag:s7] =	ssyncset.done $0x0  }
0x64: {  	[sflag:s7] =	ssyncadd.s32 $0xFFFFD800  }
0x65: {  	[tilespmem:s8], [sflag:$0x4] =	stream.indirect.gather [spmem:s2], $0x1, s3, s4, $0xb8;
	[tilespmem:$0x1BE00] =	vst v63  }
0x66: {  	_ =	swait.ge [sflag:s15], $0x2800  }
0x67: {  	[sflag:s15] =	ssyncset.done $0x0  }
0x68: {  	s0 =	sadd.s32 $0x2800, s29;
	s24 =	sadd.s32 s31, s24;
	[sflag:s15] =	ssyncadd.s32 $0xFFFFD800  }
0x69: {  	[hbm4b:s24+s3] =	stream.linear.scatter [tilespmem:s11], [sflag:$0x7], $0x2800, $0x38;
	[tilespmem:$0x1BE00] =	vst v63  }
0x6a: {  	s25 =	sadd.s32 s28, s0  }
0x6b: {  	[tilespmem:s9], [sflag:$0x3] =	stream.linear.gather [hbm4b:s25+s3], $0x2800, $0x38;
	[tilespmem:$0x1BE00] =	vst v63  }
0x6c: {  	_ =	swait.ge [sflag:s16], $0x2800  }
0x6d: {  	[sflag:s16] =	ssyncset.done $0x0  }
0x6e: {  	[sflag:s16] =	ssyncadd.s32 $0xFFFFD800  }
0x6f: {  	_ =	swait.ge [sflag:s10], $0x2800  }
0x70: {  	[sflag:s10] =	ssyncset.done $0x0  }
0x71: {  	[sflag:s10] =	ssyncadd.s32 $0xFFFFD800  }
0x72: {  	[tilespmem:s11], [sflag:$0x5] =	stream.indirect.gather [spmem:s2], $0x1, s4, s4, $0xb8;
	[tilespmem:$0x1BE00] =	vst v63  }
0x73: {  	_ =	swait.ge [sflag:s12], $0x2800  }
0x74: {  	[sflag:s12] =	ssyncset.done $0x0  }
0x75: {  	s5 =	sadd.s32 $0x2D00, s29;
	s26 =	sadd.s32 s31, s26;
	[sflag:s12] =	ssyncadd.s32 $0xFFFFD800  }
0x76: {  	[hbm4b:s26+s3] =	stream.linear.scatter [tilespmem:s8], [sflag:$0x6], $0x2800, $0x38;
	[tilespmem:$0x1BE00] =	vst v63  }
0x77: {  	s28 =	sadd.s32 s28, s5  }
0x78: {  	[tilespmem:s3], [sflag:$0x1] =	stream.linear.gather [hbm4b:s28+s3], $0x2800, $0x38;
	[tilespmem:$0x1BE00] =	vst v63  }
0x79: {  	_ =	swait.ge [sflag:s13], $0x2800  }
0x7a: {  	[sflag:s13] =	ssyncset.done $0x0  }
0x7b: {  	[sflag:s13] =	ssyncadd.s32 $0xFFFFD800  }
0x7c: {  	_ =	swait.ge [sflag:s14], $0x2800  }
0x7d: {  	[sflag:s14] =	ssyncset.done $0x0  }
0x7e: {  	[sflag:s14] =	ssyncadd.s32 $0xFFFFD800  }
0x7f: {  	[tilespmem:s8], [sflag:$0x4] =	stream.indirect.gather [spmem:s2], $0x1, s9, s4, $0xb8;
	[tilespmem:$0x1BE00] =	vst v63  }
0x80: {  	_ =	swait.ge [sflag:s15], $0x2800  }
0x81: {  	[sflag:s15] =	ssyncset.done $0x0  }
0x82: {  	s29 =	sadd.s32 s31, s30;
	[sflag:s15] =	ssyncadd.s32 $0xFFFFD800  }
0x83: {  	[hbm4b:s29+s3] =	stream.linear.scatter [tilespmem:s11], [sflag:$0x7], $0x2800, $0x38;
	[tilespmem:$0x1BE00] =	vst v63  }
0x84: {  	_ =	swait.ge [sflag:s16], $0x2800  }
0x85: {  	[sflag:s16] =	ssyncset.done $0x0  }
0x86: {  	[sflag:s16] =	ssyncadd.s32 $0xFFFFD800  }
0x87: {  	_ =	swait.ge [sflag:s7], $0x2800  }
0x88: {  	[sflag:s7] =	ssyncset.done $0x0  }
0x89: {  	[sflag:s7] =	ssyncadd.s32 $0xFFFFD800  }
0x8a: {  	[tilespmem:s11], [sflag:$0x5] =	stream.indirect.gather [spmem:s2], $0x1, s3, s4, $0xb8;
	[tilespmem:$0x1BE00] =	vst v63  }
0x8b: {  	s30 =	sadd.s32 s31, s0;
	_ =	swait.ge [sflag:s12], $0x2800  }
0x8c: {  	s31 =	sadd.s32 s31, s5;
	s5 =	ssub.s32 $0x2, s17;
	[sflag:s12] =	ssyncset.done $0x0  }
0x8d: {  	s17 =	sshrl.u32 s5, $0x1;
	[sflag:s12] =	ssyncadd.s32 $0xFFFFD800  }
0x8e: {  	[hbm4b:s30+s3] =	stream.linear.scatter [tilespmem:s8], [sflag:$0x6], $0x2800, $0x38;
	[tilespmem:$0x1BE00] =	vst v63  }
0x8f: {  	s0 =	ssub.s32 s5, s17;
	_ =	swait.ge [sflag:s15], $0x2800  }
0x90: {  	s0 =	smax.u32 s0, $0x1;
	[sflag:s15] =	ssyncset.done $0x0  }
0x91: {  	p0 =	sne.s32 s0, $0x1;
	[sflag:s15] =	ssyncadd.s32 $0xFFFFD800  }
0x92: {  	[hbm4b:s31+s3] =	stream.linear.scatter [tilespmem:s11], [sflag:$0x7], $0x2800, $0x38;
	[tilespmem:$0x1BE00] =	vst v63  }
.Ltmp0:
0x93: {  	_ = 	snop;
	(pc) =	sbr.rel @!p0 .LBB2_2-.Ltmp0, $4  }
0x94: {  	_ =	swait.ge [sflag:s13], $0x2800  }
0x95: {  	[sflag:s13] =	ssyncset.done $0x0  }
0x96: {  	[sflag:s13] =	ssyncadd.s32 $0xFFFFD800  }
0x97: {  	s1 =	sadd.s32 $0xFFFFFFFF, s0;
	_ =	swait.ge [sflag:s16], $0x2800  }
.LBB2_1:
0x98: {  	s0 =	rddreg [dreg:$0x4]  }
0x99: {  	s5 =	rddreg [dreg:$0x5];
	[sflag:s16] =	ssyncset.done $0x0  }
0x9a: {  	s17 =	rddreg [dreg:$0x6];
	[sflag:s16] =	ssyncadd.s32 $0xFFFFD800  }
0x9b: {  	[tilespmem:s3], [sflag:$0x1] =	stream.linear.gather [hbm4b:s0+s3], $0x2800, $0x38;
	[tilespmem:$0x1BE00] =	vst v63  }
0x9c: {  	s0 =	rddreg [dreg:$0x7]  }
0x9d: {  	[tilespmem:s4], [sflag:$0x2] =	stream.linear.gather [hbm4b:s5+s3], $0x2800, $0x38;
	[tilespmem:$0x1BE00] =	vst v63  }
0x9e: {  	s5 =	rddreg [dreg:$0xc]  }
0x9f: {  	[spmem:s5], [sflag:s0] =	dma.local [hbm:s17], $0x1EC0  }
0xa0: {  	_ =	swait.ge [sflag:s6], $0x1EC0  }
0xa1: {  	[sflag:s6] =	ssyncset.done $0x0  }
0xa2: {  	[sflag:s6] =	ssyncadd.s32 $0xFFFFE140  }
0xa3: {  	[bflag:$0x0] =	sbarrier.arrive $0xFFFF  }
0xa4: {  	_ =	swait.ge [sflag:s7], $0x2800  }
0xa5: {  	[sflag:s7] =	ssyncset.done $0x0  }
0xa6: {  	[sflag:s7] =	ssyncadd.s32 $0xFFFFD800  }
0xa7: {  	[tilespmem:s8], [sflag:$0x4] =	stream.indirect.gather [spmem:s2], $0x1, s3, s4, $0xb8;
	[tilespmem:$0x1BE00] =	vst v63  }
0xa8: {  	s17 =	rddreg [dreg:$0x8]  }
0xa9: {  	[tilespmem:s9], [sflag:$0x3] =	stream.linear.gather [hbm4b:s17+s3], $0x2800, $0x38;
	[tilespmem:$0x1BE00] =	vst v63  }
0xaa: {  	_ =	swait.ge [sflag:s10], $0x2800  }
0xab: {  	[sflag:s10] =	ssyncset.done $0x0  }
0xac: {  	[sflag:s10] =	ssyncadd.s32 $0xFFFFD800  }
0xad: {  	[tilespmem:s11], [sflag:$0x5] =	stream.indirect.gather [spmem:s2], $0x1, s4, s4, $0xb8;
	[tilespmem:$0x1BE00] =	vst v63  }
0xae: {  	_ =	swait.ge [sflag:s12], $0x2800  }
0xaf: {  	[sflag:s12] =	ssyncset.done $0x0  }
0xb0: {  	s5 =	rddreg [dreg:$0x9];
	[sflag:s12] =	ssyncadd.s32 $0xFFFFD800  }
0xb1: {  	[hbm4b:s5+s3] =	stream.linear.scatter [tilespmem:s8], [sflag:$0x6], $0x2800, $0x38;
	[tilespmem:$0x1BE00] =	vst v63  }
0xb2: {  	s17 =	rddreg [dreg:$0xa]  }
0xb3: {  	[tilespmem:s3], [sflag:$0x1] =	stream.linear.gather [hbm4b:s17+s3], $0x2800, $0x38;
	[tilespmem:$0x1BE00] =	vst v63  }
0xb4: {  	_ =	swait.ge [sflag:s13], $0x2800  }
0xb5: {  	[sflag:s13] =	ssyncset.done $0x0  }
0xb6: {  	[sflag:s13] =	ssyncadd.s32 $0xFFFFD800  }
0xb7: {  	_ =	swait.ge [sflag:s14], $0x2800  }
0xb8: {  	[sflag:s14] =	ssyncset.done $0x0  }
0xb9: {  	[sflag:s14] =	ssyncadd.s32 $0xFFFFD800  }
0xba: {  	[tilespmem:s8], [sflag:$0x4] =	stream.indirect.gather [spmem:s2], $0x1, s9, s4, $0xb8;
	[tilespmem:$0x1BE00] =	vst v63  }
0xbb: {  	_ =	swait.ge [sflag:s15], $0x2800  }
0xbc: {  	[sflag:s15] =	ssyncset.done $0x0  }
0xbd: {  	s5 =	rddreg [dreg:$0xb];
	[sflag:s15] =	ssyncadd.s32 $0xFFFFD800  }
0xbe: {  	[hbm4b:s5+s3] =	stream.linear.scatter [tilespmem:s11], [sflag:$0x7], $0x2800, $0x38;
	[tilespmem:$0x1BE00] =	vst v63  }
0xbf: {  	s17 =	rddreg [dreg:$0xd]  }
0xc0: {  	[tilespmem:s4], [sflag:$0x2] =	stream.linear.gather [hbm4b:s17+s3], $0x2800, $0x38;
	[tilespmem:$0x1BE00] =	vst v63  }
0xc1: {  	_ =	swait.ge [sflag:s16], $0x2800  }
0xc2: {  	[sflag:s16] =	ssyncset.done $0x0  }
0xc3: {  	[sflag:s16] =	ssyncadd.s32 $0xFFFFD800  }
0xc4: {  	_ =	swait.ge [sflag:s7], $0x2800  }
0xc5: {  	[sflag:s7] =	ssyncset.done $0x0  }
0xc6: {  	[sflag:s7] =	ssyncadd.s32 $0xFFFFD800  }
0xc7: {  	[tilespmem:s11], [sflag:$0x5] =	stream.indirect.gather [spmem:s2], $0x1, s3, s4, $0xb8;
	[tilespmem:$0x1BE00] =	vst v63  }
0xc8: {  	_ =	swait.ge [sflag:s12], $0x2800  }
0xc9: {  	[sflag:s12] =	ssyncset.done $0x0  }
0xca: {  	[sflag:s12] =	ssyncadd.s32 $0xFFFFD800  }
0xcb: {  	[hbm4b:s18+s3] =	stream.linear.scatter [tilespmem:s8], [sflag:$0x6], $0x2800, $0x38;
	[tilespmem:$0x1BE00] =	vst v63  }
0xcc: {  	_ = 	snop  }
0xcd: {  	[tilespmem:s9], [sflag:$0x3] =	stream.linear.gather [hbm4b:s19+s3], $0x2800, $0x38;
	[tilespmem:$0x1BE00] =	vst v63  }
0xce: {  	_ =	swait.ge [sflag:s13], $0x2800  }
0xcf: {  	[sflag:s13] =	ssyncset.done $0x0  }
0xd0: {  	[sflag:s13] =	ssyncadd.s32 $0xFFFFD800  }
0xd1: {  	_ =	swait.ge [sflag:s10], $0x2800  }
0xd2: {  	[sflag:s10] =	ssyncset.done $0x0  }
0xd3: {  	[sflag:s10] =	ssyncadd.s32 $0xFFFFD800  }
0xd4: {  	[tilespmem:s8], [sflag:$0x4] =	stream.indirect.gather [spmem:s2], $0x1, s4, s4, $0xb8;
	[tilespmem:$0x1BE00] =	vst v63  }
0xd5: {  	_ =	swait.ge [sflag:s15], $0x2800  }
0xd6: {  	[sflag:s15] =	ssyncset.done $0x0  }
0xd7: {  	[sflag:s15] =	ssyncadd.s32 $0xFFFFD800  }
0xd8: {  	[hbm4b:s20+s3] =	stream.linear.scatter [tilespmem:s11], [sflag:$0x7], $0x2800, $0x38;
	[tilespmem:$0x1BE00] =	vst v63  }
0xd9: {  	_ = 	snop  }
0xda: {  	[tilespmem:s3], [sflag:$0x1] =	stream.linear.gather [hbm4b:s21+s3], $0x2800, $0x38;
	[tilespmem:$0x1BE00] =	vst v63  }
0xdb: {  	_ =	swait.ge [sflag:s16], $0x2800  }
0xdc: {  	[sflag:s16] =	ssyncset.done $0x0  }
0xdd: {  	[sflag:s16] =	ssyncadd.s32 $0xFFFFD800  }
0xde: {  	_ =	swait.ge [sflag:s14], $0x2800  }
0xdf: {  	[sflag:s14] =	ssyncset.done $0x0  }
0xe0: {  	[sflag:s14] =	ssyncadd.s32 $0xFFFFD800  }
0xe1: {  	[tilespmem:s11], [sflag:$0x5] =	stream.indirect.gather [spmem:s2], $0x1, s9, s4, $0xb8;
	[tilespmem:$0x1BE00] =	vst v63  }
0xe2: {  	_ =	swait.ge [sflag:s12], $0x2800  }
0xe3: {  	[sflag:s12] =	ssyncset.done $0x0  }
0xe4: {  	[sflag:s12] =	ssyncadd.s32 $0xFFFFD800  }
0xe5: {  	[hbm4b:s22+s3] =	stream.linear.scatter [tilespmem:s8], [sflag:$0x6], $0x2800, $0x38;
	[tilespmem:$0x1BE00] =	vst v63  }
0xe6: {  	_ = 	snop  }
0xe7: {  	[tilespmem:s4], [sflag:$0x2] =	stream.linear.gather [hbm4b:s23+s3], $0x2800, $0x38;
	[tilespmem:$0x1BE00] =	vst v63  }
0xe8: {  	_ =	swait.ge [sflag:s13], $0x2800  }
0xe9: {  	[sflag:s13] =	ssyncset.done $0x0  }
0xea: {  	[sflag:s13] =	ssyncadd.s32 $0xFFFFD800  }
0xeb: {  	_ =	swait.ge [sflag:s7], $0x2800  }
0xec: {  	[sflag:s7] =	ssyncset.done $0x0  }
0xed: {  	[sflag:s7] =	ssyncadd.s32 $0xFFFFD800  }
0xee: {  	[tilespmem:s8], [sflag:$0x4] =	stream.indirect.gather [spmem:s2], $0x1, s3, s4, $0xb8;
	[tilespmem:$0x1BE00] =	vst v63  }
0xef: {  	_ =	swait.ge [sflag:s15], $0x2800  }
0xf0: {  	[sflag:s15] =	ssyncset.done $0x0  }
0xf1: {  	[sflag:s15] =	ssyncadd.s32 $0xFFFFD800  }
0xf2: {  	[hbm4b:s24+s3] =	stream.linear.scatter [tilespmem:s11], [sflag:$0x7], $0x2800, $0x38;
	[tilespmem:$0x1BE00] =	vst v63  }
0xf3: {  	_ = 	snop  }
0xf4: {  	[tilespmem:s9], [sflag:$0x3] =	stream.linear.gather [hbm4b:s25+s3], $0x2800, $0x38;
	[tilespmem:$0x1BE00] =	vst v63  }
0xf5: {  	_ =	swait.ge [sflag:s16], $0x2800  }
0xf6: {  	[sflag:s16] =	ssyncset.done $0x0  }
0xf7: {  	[sflag:s16] =	ssyncadd.s32 $0xFFFFD800  }
0xf8: {  	_ =	swait.ge [sflag:s10], $0x2800  }
0xf9: {  	[sflag:s10] =	ssyncset.done $0x0  }
0xfa: {  	[sflag:s10] =	ssyncadd.s32 $0xFFFFD800  }
0xfb: {  	[tilespmem:s11], [sflag:$0x5] =	stream.indirect.gather [spmem:s2], $0x1, s4, s4, $0xb8;
	[tilespmem:$0x1BE00] =	vst v63  }
0xfc: {  	_ =	swait.ge [sflag:s12], $0x2800  }
0xfd: {  	[sflag:s12] =	ssyncset.done $0x0  }
0xfe: {  	[sflag:s12] =	ssyncadd.s32 $0xFFFFD800  }
0xff: {  	[hbm4b:s26+s3] =	stream.linear.scatter [tilespmem:s8], [sflag:$0x6], $0x2800, $0x38;
	[tilespmem:$0x1BE00] =	vst v63  }
0x100: {  	_ = 	snop  }
0x101: {  	[tilespmem:s3], [sflag:$0x1] =	stream.linear.gather [hbm4b:s28+s3], $0x2800, $0x38;
	[tilespmem:$0x1BE00] =	vst v63  }
0x102: {  	_ =	swait.ge [sflag:s13], $0x2800  }
0x103: {  	[sflag:s13] =	ssyncset.done $0x0  }
0x104: {  	[sflag:s13] =	ssyncadd.s32 $0xFFFFD800  }
0x105: {  	_ =	swait.ge [sflag:s14], $0x2800  }
0x106: {  	[sflag:s14] =	ssyncset.done $0x0  }
0x107: {  	[sflag:s14] =	ssyncadd.s32 $0xFFFFD800  }
0x108: {  	[tilespmem:s8], [sflag:$0x4] =	stream.indirect.gather [spmem:s2], $0x1, s9, s4, $0xb8;
	[tilespmem:$0x1BE00] =	vst v63  }
0x109: {  	_ =	swait.ge [sflag:s15], $0x2800  }
0x10a: {  	[sflag:s15] =	ssyncset.done $0x0  }
0x10b: {  	[sflag:s15] =	ssyncadd.s32 $0xFFFFD800  }
0x10c: {  	[hbm4b:s29+s3] =	stream.linear.scatter [tilespmem:s11], [sflag:$0x7], $0x2800, $0x38;
	[tilespmem:$0x1BE00] =	vst v63  }
0x10d: {  	_ =	swait.ge [sflag:s16], $0x2800  }
0x10e: {  	[sflag:s16] =	ssyncset.done $0x0  }
0x10f: {  	[sflag:s16] =	ssyncadd.s32 $0xFFFFD800  }
0x110: {  	_ =	swait.ge [sflag:s7], $0x2800  }
0x111: {  	[sflag:s7] =	ssyncset.done $0x0  }
0x112: {  	[sflag:s7] =	ssyncadd.s32 $0xFFFFD800  }
0x113: {  	[tilespmem:s11], [sflag:$0x5] =	stream.indirect.gather [spmem:s2], $0x1, s3, s4, $0xb8;
	[tilespmem:$0x1BE00] =	vst v63  }
0x114: {  	_ =	swait.ge [sflag:s12], $0x2800  }
0x115: {  	[sflag:s12] =	ssyncset.done $0x0  }
0x116: {  	[sflag:s12] =	ssyncadd.s32 $0xFFFFD800  }
0x117: {  	[hbm4b:s30+s3] =	stream.linear.scatter [tilespmem:s8], [sflag:$0x6], $0x2800, $0x38;
	[tilespmem:$0x1BE00] =	vst v63  }
0x118: {  	_ =	swait.ge [sflag:s15], $0x2800  }
0x119: {  	[sflag:s15] =	ssyncset.done $0x0  }
0x11a: {  	p0 =	sne.s32 s1, $0x1;
	[sflag:s15] =	ssyncadd.s32 $0xFFFFD800  }
0x11b: {  	[hbm4b:s31+s3] =	stream.linear.scatter [tilespmem:s11], [sflag:$0x7], $0x2800, $0x38;
	[tilespmem:$0x1BE00] =	vst v63  }
.Ltmp1:
0x11c: {  	_ = 	snop;
	(pc) =	sbr.rel @p0 .LBB2_1-.Ltmp1, $4  }
0x11d: {  	_ =	swait.ge [sflag:s13], $0x2800  }
0x11e: {  	[sflag:s13] =	ssyncset.done $0x0  }
0x11f: {  	[sflag:s13] =	ssyncadd.s32 $0xFFFFD800  }
0x120: {  	s1 =	sadd.s32 $0xFFFFFFFF, s1;
	_ =	swait.ge [sflag:s16], $0x2800  }
.LBB2_2:
0x121: {  	[sflag:s16] =	ssyncset.done $0x0  }
0x122: {  	[sflag:s16] =	ssyncadd.s32 $0xFFFFD800  }
0x123: {  	_ =	sfence.sel $0x180000  }
0x124: {  	[bflag:$0x0] =	sbarrier.arrive $0xFFFF  }
0x125: {  	_ =	strace $0x90000047  }
0x126: {  	s0 =	stileid.u32;
	[bflag:$0x2] =	sbarrier.arrive $0xFFFF  }
0x127: {  	p0 =	sne.s32 s0, $0x0;
	s0 =	rddreg [dreg:$0x3]  }
0x128: {  	s0 =	sadd.s32 @!p0 $0x100000, s0  }
0x129: {  	[sflag:s0] =	ssyncadd.tile.s32 @!p0 $0x1;
	_ =	shalt  }
.Lfunc_end2:
_tile_overlayer_lowered:
.L_overlay_start_2:
0x12a: {  	(tag) =	ssettag $0x2  }
0x12b: {  	s0 =	rddreg [dreg:$0x0];
	s2 =	stileid.u32  }
0x12c: {  	s1 =	rddreg [dreg:$0x1];
	p0 =	sne.s32 s2, $0x0  }
0x12d: {  	s3 =	rddreg [dreg:$0x2];
	[bflag:$0x3] =	sbarrier.arrive $0xFFFF;
	s2 =	simm.s32 @!p0 $0x1C08  }
0x12e: {  	[timem:s3], [sflag:s2] =	dma.local @!p0 [hbm:s0], s1  }
0x12f: {  	s0 =	simm.s32 @!p0 $0x8  }
0x130: {  	_ =	swait.ge @!p0 [sflag:s0], s1  }
0x131: {  	s1 =	ssub.s32 @!p0 $0x0, s1;
	[sflag:s0] =	ssyncset.done @!p0 $0x0  }
0x132: {  	[sflag:s0] =	ssyncadd.s32 @!p0 s1  }
0x133: {  	[bflag:$0x3] =	sbarrier.arrive $0xFFFF  }
0x134: {  	_ =	shalt  }

</sc_bundles>
